<compile_context>
chip_gen: v7x
topology: tpu7x:2x2x1
jax: 0.10.2.dev20260603
libtpu: 0.0.44.dev20260713+nightly
codegen_flags: <defaults>
</compile_context>

<pallas_src>
import functools

import jax
import jax.numpy as jnp
from jax import lax
from jax.experimental import pallas as pl
from jax.experimental.pallas import tpu as pltpu
from jax.experimental.pallas import tpu_sc as plsc

NC = 2
NS = 16
NW = NC * NS
CHUNK = 128
BLK = 10240


def _mesh():
    return plsc.VectorSubcoreMesh(
        core_axis_name="c", subcore_axis_name="s", num_cores=NC, num_subcores=NS
    )


def _deg_kernel(R, C):
    rows_per = R // NS

    @functools.partial(
        pl.kernel,
        out_type=jax.ShapeDtypeStruct((NC, R), jnp.float32),
        mesh=_mesh(),
        scratch_types=[
            pltpu.VMEM((C, CHUNK), jnp.int32),
            pltpu.VMEM((CHUNK,), jnp.float32),
            pltpu.VMEM((rows_per,), jnp.float32),
            pltpu.VMEM_SHARED((R,), jnp.float32),
        ],
    )
    def deg(dst_hbm, ones_hbm, zrow_hbm, out_hbm, idx_v, ones_v, stage_v, deg_sh):
        c = lax.axis_index("c")
        s = lax.axis_index("s")
        wid = c * NS + s
        base = s * rows_per
        pltpu.sync_copy(zrow_hbm.at[pl.ds(base, rows_per)],
                        deg_sh.at[pl.ds(base, rows_per)])
        pltpu.sync_copy(ones_hbm, ones_v)
        pltpu.sync_copy(dst_hbm.at[wid], idx_v)
        plsc.subcore_barrier()

        def body(g, carry):
            pltpu.sync_copy(ones_v, deg_sh.at[idx_v.at[g]], add=True)
            return carry

        lax.fori_loop(0, C, body, 0)
        plsc.subcore_barrier()
        pltpu.sync_copy(deg_sh.at[pl.ds(base, rows_per)], stage_v)
        pltpu.sync_copy(stage_v, out_hbm.at[c, pl.ds(base, rows_per)])

    return deg


def _msg_kernel(R, C, H):
    rows_per = R // NS

    @functools.partial(
        pl.kernel,
        out_type=jax.ShapeDtypeStruct((NC, R, H), jnp.float32),
        mesh=_mesh(),
        scratch_types=[
            pltpu.VMEM((C, CHUNK), jnp.int32),
            pltpu.VMEM((C, CHUNK), jnp.int32),
            pltpu.VMEM((CHUNK, H), jnp.float32),
            pltpu.SemaphoreType.DMA,
            pltpu.VMEM_SHARED((R, H), jnp.float32),
            pltpu.VMEM_SHARED((R, H), jnp.float32),
        ],
        compiler_params=pltpu.CompilerParams(use_tc_tiling_on_sc=False),
    )
    def msg(src_hbm, dst_hbm, feat_hbm, zrows_hbm, out_hbm,
            sidx_v, didx_v, gbuf, gsem, acc_sh, feat_sh):
        c = lax.axis_index("c")
        s = lax.axis_index("s")
        base = s * rows_per

        pltpu.sync_copy(src_hbm.at[s], sidx_v)
        pltpu.sync_copy(dst_hbm.at[s], didx_v)
        pltpu.sync_copy(feat_hbm.at[c, pl.ds(base, rows_per)],
                        feat_sh.at[pl.ds(base, rows_per)])
        pltpu.sync_copy(zrows_hbm, acc_sh.at[pl.ds(base, rows_per)])
        plsc.subcore_barrier()

        def body(g, carry):
            pltpu.async_copy(feat_sh.at[sidx_v.at[g]],
                             gbuf, gsem).wait()
            pltpu.sync_copy(gbuf, acc_sh.at[didx_v.at[g]], add=True)
            return carry

        lax.fori_loop(0, C, body, 0)
        plsc.subcore_barrier()
        pltpu.sync_copy(acc_sh.at[pl.ds(base, rows_per)],
                        out_hbm.at[c, pl.ds(base, rows_per)])

    return msg


def _prep_body(dp_ref, feat_ref, out_ref):
    i = pl.program_id(0)
    deg = dp_ref[0, pl.ds(i * BLK, BLK)] + dp_ref[1, pl.ds(i * BLK, BLK)]
    scale = lax.rsqrt(deg + 1.0)
    scaled = feat_ref[...] * scale[:, None]
    h = scaled.shape[1] // 2
    out_ref[0] = scaled[:, :h]
    out_ref[1] = scaled[:, h:]


def _out_body(p_ref, dp_ref, w_ref, b_ref, o_ref):
    i = pl.program_id(0)
    deg = dp_ref[0, pl.ds(i * BLK, BLK)] + dp_ref[1, pl.ds(i * BLK, BLK)]
    dinv = 1.0 / jnp.maximum(deg, 1.0)
    h = jnp.concatenate([p_ref[0], p_ref[1]], axis=1) * dinv[:, None]
    o_ref[...] = lax.dot_general(
        h, w_ref[...], (((1,), (1,)), ((), ())),
        preferred_element_type=jnp.float32,
    ) + b_ref[...]


def kernel(feature, edge_index, W, b):
    N, D = feature.shape
    H = D // 2
    E = edge_index.shape[1]
    R = ((N + 1 + BLK - 1) // BLK) * BLK

    src = edge_index[0]
    dst = edge_index[1]

    per_w = -(-E // NW)
    C0 = -(-per_w // CHUNK)
    pad0 = NW * C0 * CHUNK - E
    dstp32 = jnp.concatenate(
        [dst, jnp.full((pad0,), N, jnp.int32)]).reshape(NW, C0, CHUNK)

    per_t = -(-E // NS)
    C = -(-per_t // CHUNK)
    pad1 = NS * C * CHUNK - E
    padv = jnp.full((pad1,), N, jnp.int32)
    srcf = jnp.concatenate([src, padv]).reshape(NS, C, CHUNK)
    dstf = jnp.concatenate([dst, padv]).reshape(NS, C, CHUNK)

    ones = jnp.ones((CHUNK,), jnp.float32)
    zrow = jnp.zeros((R,), jnp.float32)
    z2d = jnp.zeros((R // NS, H), jnp.float32)

    dp = _deg_kernel(R, C0)(dstp32, ones, zrow)

    feat_split = pl.pallas_call(
        _prep_body,
        grid=(R // BLK,),
        in_specs=[
            pl.BlockSpec((NC, R), lambda i: (0, 0)),
            pl.BlockSpec((BLK, D), lambda i: (i, 0)),
        ],
        out_specs=pl.BlockSpec((NC, BLK, H), lambda i: (0, i, 0)),
        out_shape=jax.ShapeDtypeStruct((NC, R, H), jnp.float32),
    )(dp, feature)

    partial = _msg_kernel(R, C, H)(srcf, dstf, feat_split, z2d)

    outp = pl.pallas_call(
        _out_body,
        grid=(R // BLK,),
        in_specs=[
            pl.BlockSpec((NC, BLK, H), lambda i: (0, i, 0)),
            pl.BlockSpec((NC, R), lambda i: (0, 0)),
            pl.BlockSpec((D, D), lambda i: (0, 0)),
            pl.BlockSpec((1, D), lambda i: (0, 0)),
        ],
        out_specs=pl.BlockSpec((BLK, D), lambda i: (i, 0)),
        out_shape=jax.ShapeDtypeStruct((N, D), jnp.float32),
    )(partial, dp, W, b.reshape(1, D))

    return outp

# --- scband reference (transcript-rebuilt; emitter-appended) ---
"""Pipeline reference for scband-gcn-13718125543729 (READ-ONLY COPY).

The authoritative reference and input builder live on the scoring server;
editing this copy changes nothing except your own understanding.
"""

import jax, jax.numpy as jnp
import numpy as np

N = 10000
E = 320000
D_IN = 128
D_OUT = 128


def setup_inputs(seed: int = 0) -> dict:
    key = jax.random.key(seed)
    k1, k2, k3, k4 = jax.random.split(key, 4)
    feature = jax.random.normal(k1, (N, D_IN), dtype=jnp.float32)
    edge_index = jax.random.randint(k2, (2, E), 0, N, dtype=jnp.int32)
    # nn.Linear(in_feats, out_feats): W [out, in], b [out]
    W = jax.random.normal(k3, (D_OUT, D_IN), dtype=jnp.float32) * 0.05
    b = jax.random.normal(k4, (D_OUT,), dtype=jnp.float32) * 0.05
    return {"feature": feature, "edge_index": edge_index, "W": W, "b": b}


def reference(feature, edge_index, W, b):
    src = edge_index[0]
    dst = edge_index[1]
    # in-degree of each node (number of incoming edges)
    in_degrees = jnp.zeros((N,), dtype=jnp.float32).at[dst].add(1.0)
    # constraint scaling: 1 / sqrt(in_deg + 1)
    constraint = 1.0 / jnp.sqrt(in_degrees + 1.0)
    feat = feature * constraint[:, None]
    # message passing: copy_u then mean-reduce by destination
    msg = jnp.take(feat, src, axis=0)
    summed = jnp.zeros((N, D_IN), dtype=feat.dtype).at[dst].add(msg)
    denom = jnp.maximum(in_degrees, 1.0)
    h = summed / denom[:, None]
    # apply_mod linear layer
    out = h @ W.T + b
    return out

if __name__ == "__main__":
    import jax
    _d = setup_inputs()
    print(jax.jit(kernel)(*tuple(_d.values())))

</pallas_src>

<mosaic_0001>
#map = affine_map<(d0, d1) -> (0, 0, 0)>
#map1 = affine_map<(d0, d1) -> (0, 0)>
module attributes {stable_mosaic.version = 14 : i64} {
  func.func @msg(%arg0: i32, %arg1: i32, %arg2: memref<16x157x128xi32, #tpu.memory_space<hbm>>, %arg3: memref<16x157x128xi32, #tpu.memory_space<hbm>>, %arg4: memref<2x10240x64xf32, #tpu.memory_space<hbm>>, %arg5: memref<640x64xf32, #tpu.memory_space<hbm>>, %arg6: memref<2x10240x64xf32, #tpu.memory_space<hbm>>, %arg7: memref<157x128xi32, #tpu.memory_space<vmem>>, %arg8: memref<157x128xi32, #tpu.memory_space<vmem>>, %arg9: memref<128x64xf32, #tpu.memory_space<vmem>>, %arg10: memref<!tpu.dma_semaphore, #tpu.memory_space<semaphore_mem>>, %arg11: memref<10240x64xf32, #tpu.memory_space<vmem_shared>>, %arg12: memref<10240x64xf32, #tpu.memory_space<vmem_shared>>) attributes {dimension_semantics = [#tpu.dimension_semantics<core_parallel>, #tpu.dimension_semantics<subcore_parallel>], iteration_bounds = array<i64: 2, 16>, scalar_prefetch = 0 : i64, scratch_operands = 6 : i64, tpu.core_type = #tpu.core_type<sc_vector_subcore>, window_params = [{transform_indices = #map}, {transform_indices = #map}, {transform_indices = #map}, {transform_indices = #map1}, {transform_indices = #map}]} {
    %mul3A = arith.constant 640 : i32
    %mul3A_0 = arith.muli %arg1, %mul3A : i32
    "tpu.region"() ({
      %run_scoped3A = tpu.sem_alloc : memref<!tpu.dma_semaphore, #tpu.memory_space<semaphore_mem>>
      %dma_start3A = arith.constant 0 : i32
      %dma_start3A_7 = arith.constant 0 : i32
      %dma_start3A_8 = tpu.memref_slice %arg2[%arg1, %dma_start3A, %dma_start3A_7] : memref<16x157x128xi32, #tpu.memory_space<hbm>> -> memref<1x157x128xi32, #tpu.memory_space<hbm>>
      %dma_start3A_9 = tpu.memref_squeeze %dma_start3A_8 : memref<1x157x128xi32, #tpu.memory_space<hbm>> -> memref<157x128xi32, #tpu.memory_space<hbm>>
      %dma_start3A_10 = arith.constant 0 : i32
      %dma_start3A_11 = arith.constant 0 : i32
      %dma_start3A_12 = tpu.memref_slice %arg2[%arg1, %dma_start3A_10, %dma_start3A_11] : memref<16x157x128xi32, #tpu.memory_space<hbm>> -> memref<1x157x128xi32, #tpu.memory_space<hbm>>
      %dma_start3A_13 = tpu.memref_squeeze %dma_start3A_12 : memref<1x157x128xi32, #tpu.memory_space<hbm>> -> memref<157x128xi32, #tpu.memory_space<hbm>>
      tpu.enqueue_dma source(%dma_start3A_13 : memref<157x128xi32, #tpu.memory_space<hbm>>) target(%arg7 : memref<157x128xi32, #tpu.memory_space<vmem>>) target_semaphore(%run_scoped3A : memref<!tpu.dma_semaphore, #tpu.memory_space<semaphore_mem>>)
      %dma_wait3A = arith.constant 0 : i32
      %dma_wait3A_14 = arith.constant 0 : i32
      %dma_wait3A_15 = tpu.memref_slice %arg2[%arg1, %dma_wait3A, %dma_wait3A_14] : memref<16x157x128xi32, #tpu.memory_space<hbm>> -> memref<1x157x128xi32, #tpu.memory_space<hbm>>
      %dma_wait3A_16 = tpu.memref_squeeze %dma_wait3A_15 : memref<1x157x128xi32, #tpu.memory_space<hbm>> -> memref<157x128xi32, #tpu.memory_space<hbm>>
      %dma_wait3A_17 = arith.constant 0 : i32
      %dma_wait3A_18 = arith.constant 0 : i32
      %dma_wait3A_19 = tpu.memref_slice %arg2[%arg1, %dma_wait3A_17, %dma_wait3A_18] : memref<16x157x128xi32, #tpu.memory_space<hbm>> -> memref<1x157x128xi32, #tpu.memory_space<hbm>>
      %dma_wait3A_20 = tpu.memref_squeeze %dma_wait3A_19 : memref<1x157x128xi32, #tpu.memory_space<hbm>> -> memref<157x128xi32, #tpu.memory_space<hbm>>
      tpu.wait_dma2 semaphore(%run_scoped3A : memref<!tpu.dma_semaphore, #tpu.memory_space<semaphore_mem>>) src(%dma_wait3A_20 : memref<157x128xi32, #tpu.memory_space<hbm>>) dst(%arg7 : memref<157x128xi32, #tpu.memory_space<vmem>>)
      tpu.yield
    }) : () -> ()
    "tpu.region"() ({
      %run_scoped3A = tpu.sem_alloc : memref<!tpu.dma_semaphore, #tpu.memory_space<semaphore_mem>>
      %dma_start3A = arith.constant 0 : i32
      %dma_start3A_7 = arith.constant 0 : i32
      %dma_start3A_8 = tpu.memref_slice %arg3[%arg1, %dma_start3A, %dma_start3A_7] : memref<16x157x128xi32, #tpu.memory_space<hbm>> -> memref<1x157x128xi32, #tpu.memory_space<hbm>>
      %dma_start3A_9 = tpu.memref_squeeze %dma_start3A_8 : memref<1x157x128xi32, #tpu.memory_space<hbm>> -> memref<157x128xi32, #tpu.memory_space<hbm>>
      %dma_start3A_10 = arith.constant 0 : i32
      %dma_start3A_11 = arith.constant 0 : i32
      %dma_start3A_12 = tpu.memref_slice %arg3[%arg1, %dma_start3A_10, %dma_start3A_11] : memref<16x157x128xi32, #tpu.memory_space<hbm>> -> memref<1x157x128xi32, #tpu.memory_space<hbm>>
      %dma_start3A_13 = tpu.memref_squeeze %dma_start3A_12 : memref<1x157x128xi32, #tpu.memory_space<hbm>> -> memref<157x128xi32, #tpu.memory_space<hbm>>
      tpu.enqueue_dma source(%dma_start3A_13 : memref<157x128xi32, #tpu.memory_space<hbm>>) target(%arg8 : memref<157x128xi32, #tpu.memory_space<vmem>>) target_semaphore(%run_scoped3A : memref<!tpu.dma_semaphore, #tpu.memory_space<semaphore_mem>>)
      %dma_wait3A = arith.constant 0 : i32
      %dma_wait3A_14 = arith.constant 0 : i32
      %dma_wait3A_15 = tpu.memref_slice %arg3[%arg1, %dma_wait3A, %dma_wait3A_14] : memref<16x157x128xi32, #tpu.memory_space<hbm>> -> memref<1x157x128xi32, #tpu.memory_space<hbm>>
      %dma_wait3A_16 = tpu.memref_squeeze %dma_wait3A_15 : memref<1x157x128xi32, #tpu.memory_space<hbm>> -> memref<157x128xi32, #tpu.memory_space<hbm>>
      %dma_wait3A_17 = arith.constant 0 : i32
      %dma_wait3A_18 = arith.constant 0 : i32
      %dma_wait3A_19 = tpu.memref_slice %arg3[%arg1, %dma_wait3A_17, %dma_wait3A_18] : memref<16x157x128xi32, #tpu.memory_space<hbm>> -> memref<1x157x128xi32, #tpu.memory_space<hbm>>
      %dma_wait3A_20 = tpu.memref_squeeze %dma_wait3A_19 : memref<1x157x128xi32, #tpu.memory_space<hbm>> -> memref<157x128xi32, #tpu.memory_space<hbm>>
      tpu.wait_dma2 semaphore(%run_scoped3A : memref<!tpu.dma_semaphore, #tpu.memory_space<semaphore_mem>>) src(%dma_wait3A_20 : memref<157x128xi32, #tpu.memory_space<hbm>>) dst(%arg8 : memref<157x128xi32, #tpu.memory_space<vmem>>)
      tpu.yield
    }) : () -> ()
    "tpu.region"() ({
      %run_scoped3A = tpu.sem_alloc : memref<!tpu.dma_semaphore, #tpu.memory_space<semaphore_mem>>
      %dma_start3A = arith.constant 0 : i32
      %dma_start3A_7 = tpu.memref_slice %arg12[%mul3A_0, %dma_start3A] : memref<10240x64xf32, #tpu.memory_space<vmem_shared>> -> memref<640x64xf32, #tpu.memory_space<vmem_shared>>
      %dma_start3A_8 = arith.constant 0 : i32
      %dma_start3A_9 = tpu.memref_slice %arg4[%arg0, %mul3A_0, %dma_start3A_8] : memref<2x10240x64xf32, #tpu.memory_space<hbm>> -> memref<1x640x64xf32, #tpu.memory_space<hbm>>
      %dma_start3A_10 = tpu.memref_squeeze %dma_start3A_9 : memref<1x640x64xf32, #tpu.memory_space<hbm>> -> memref<640x64xf32, #tpu.memory_space<hbm>>
      tpu.enqueue_dma source(%dma_start3A_10 : memref<640x64xf32, #tpu.memory_space<hbm>>) target(%dma_start3A_7 : memref<640x64xf32, #tpu.memory_space<vmem_shared>>) target_semaphore(%run_scoped3A : memref<!tpu.dma_semaphore, #tpu.memory_space<semaphore_mem>>)
      %dma_wait3A = arith.constant 0 : i32
      %dma_wait3A_11 = tpu.memref_slice %arg12[%mul3A_0, %dma_wait3A] : memref<10240x64xf32, #tpu.memory_space<vmem_shared>> -> memref<640x64xf32, #tpu.memory_space<vmem_shared>>
      %dma_wait3A_12 = arith.constant 0 : i32
      %dma_wait3A_13 = tpu.memref_slice %arg4[%arg0, %mul3A_0, %dma_wait3A_12] : memref<2x10240x64xf32, #tpu.memory_space<hbm>> -> memref<1x640x64xf32, #tpu.memory_space<hbm>>
      %dma_wait3A_14 = tpu.memref_squeeze %dma_wait3A_13 : memref<1x640x64xf32, #tpu.memory_space<hbm>> -> memref<640x64xf32, #tpu.memory_space<hbm>>
      tpu.wait_dma2 semaphore(%run_scoped3A : memref<!tpu.dma_semaphore, #tpu.memory_space<semaphore_mem>>) src(%dma_wait3A_14 : memref<640x64xf32, #tpu.memory_space<hbm>>) dst(%dma_wait3A_11 : memref<640x64xf32, #tpu.memory_space<vmem_shared>>)
      tpu.yield
    }) : () -> ()
    "tpu.region"() ({
      %run_scoped3A = tpu.sem_alloc : memref<!tpu.dma_semaphore, #tpu.memory_space<semaphore_mem>>
      %dma_start3A = arith.constant 0 : i32
      %dma_start3A_7 = tpu.memref_slice %arg11[%mul3A_0, %dma_start3A] : memref<10240x64xf32, #tpu.memory_space<vmem_shared>> -> memref<640x64xf32, #tpu.memory_space<vmem_shared>>
      tpu.enqueue_dma source(%arg5 : memref<640x64xf32, #tpu.memory_space<hbm>>) target(%dma_start3A_7 : memref<640x64xf32, #tpu.memory_space<vmem_shared>>) target_semaphore(%run_scoped3A : memref<!tpu.dma_semaphore, #tpu.memory_space<semaphore_mem>>)
      %dma_wait3A = arith.constant 0 : i32
      %dma_wait3A_8 = tpu.memref_slice %arg11[%mul3A_0, %dma_wait3A] : memref<10240x64xf32, #tpu.memory_space<vmem_shared>> -> memref<640x64xf32, #tpu.memory_space<vmem_shared>>
      tpu.wait_dma2 semaphore(%run_scoped3A : memref<!tpu.dma_semaphore, #tpu.memory_space<semaphore_mem>>) src(%arg5 : memref<640x64xf32, #tpu.memory_space<hbm>>) dst(%dma_wait3A_8 : memref<640x64xf32, #tpu.memory_space<vmem_shared>>)
      tpu.yield
    }) : () -> ()
    %barrier3A = arith.constant 0 : index
    tpu.barrier barrier_id(%barrier3A)
    %scan3A = arith.constant 0 : i32
    %scan3A_1 = arith.constant 0 : i32
    %scan3A_2 = arith.constant 157 : i32
    %scan3A_3 = arith.addi %scan3A_1, %scan3A_2 : i32
    %scan3A_4 = arith.constant 1 : i32
    scf.for %scan3A_7 = %scan3A_1 to %scan3A_3 step %scan3A_4  : i32 {
      %dma_start3A = arith.constant 0 : i32
      %dma_start3A_8 = tpu.memref_slice %arg7[%scan3A_7, %dma_start3A] : memref<157x128xi32, #tpu.memory_space<vmem>> -> memref<1x128xi32, #tpu.memory_space<vmem>>
      %dma_start3A_9 = tpu.memref_squeeze %dma_start3A_8 : memref<1x128xi32, #tpu.memory_space<vmem>> -> memref<128xi32, #tpu.memory_space<vmem>>
      %dma_start3A_10 = arith.constant 0 : i32
      %dma_start3A_11 = arith.constant 0 : i32
      %dma_start3A_12 = tpu.memref_slice %arg12[%dma_start3A_10, %dma_start3A_11] : memref<10240x64xf32, #tpu.memory_space<vmem_shared>> -> memref<10240x64xf32, #tpu.memory_space<vmem_shared>>
      tpu.enqueue_indirect_dma source(%dma_start3A_12 : memref<10240x64xf32, #tpu.memory_space<vmem_shared>>) target(%arg9 : memref<128x64xf32, #tpu.memory_space<vmem>>) offsets(%dma_start3A_9 : memref<128xi32, #tpu.memory_space<vmem>>) semaphore(%arg10 : memref<!tpu.dma_semaphore, #tpu.memory_space<semaphore_mem>>)
      %dma_wait3A = arith.constant 0 : i32
      %dma_wait3A_13 = tpu.memref_slice %arg7[%scan3A_7, %dma_wait3A] : memref<157x128xi32, #tpu.memory_space<vmem>> -> memref<1x128xi32, #tpu.memory_space<vmem>>
      %dma_wait3A_14 = tpu.memref_squeeze %dma_wait3A_13 : memref<1x128xi32, #tpu.memory_space<vmem>> -> memref<128xi32, #tpu.memory_space<vmem>>
      %dma_wait3A_15 = arith.constant 0 : i32
      %dma_wait3A_16 = arith.constant 0 : i32
      %dma_wait3A_17 = tpu.memref_slice %arg12[%dma_wait3A_15, %dma_wait3A_16] : memref<10240x64xf32, #tpu.memory_space<vmem_shared>> -> memref<10240x64xf32, #tpu.memory_space<vmem_shared>>
      tpu.wait_indirect_dma semaphore(%arg10 : memref<!tpu.dma_semaphore, #tpu.memory_space<semaphore_mem>>) src(%dma_wait3A_17 : memref<10240x64xf32, #tpu.memory_space<vmem_shared>>) dst(%arg9 : memref<128x64xf32, #tpu.memory_space<vmem>>)
      "tpu.region"() ({
        %run_scoped3A = tpu.sem_alloc : memref<!tpu.dma_semaphore, #tpu.memory_space<semaphore_mem>>
        %dma_start3A_18 = arith.constant 0 : i32
        %dma_start3A_19 = tpu.memref_slice %arg8[%scan3A_7, %dma_start3A_18] : memref<157x128xi32, #tpu.memory_space<vmem>> -> memref<1x128xi32, #tpu.memory_space<vmem>>
        %dma_start3A_20 = tpu.memref_squeeze %dma_start3A_19 : memref<1x128xi32, #tpu.memory_space<vmem>> -> memref<128xi32, #tpu.memory_space<vmem>>
        %dma_start3A_21 = arith.constant 0 : i32
        %dma_start3A_22 = arith.constant 0 : i32
        %dma_start3A_23 = tpu.memref_slice %arg11[%dma_start3A_21, %dma_start3A_22] : memref<10240x64xf32, #tpu.memory_space<vmem_shared>> -> memref<10240x64xf32, #tpu.memory_space<vmem_shared>>
        tpu.enqueue_indirect_dma source(%arg9 : memref<128x64xf32, #tpu.memory_space<vmem>>) target(%dma_start3A_23 : memref<10240x64xf32, #tpu.memory_space<vmem_shared>>) offsets(%dma_start3A_20 : memref<128xi32, #tpu.memory_space<vmem>>) semaphore(%run_scoped3A : memref<!tpu.dma_semaphore, #tpu.memory_space<semaphore_mem>>) {add = true}
        %dma_wait3A_24 = arith.constant 0 : i32
        %dma_wait3A_25 = tpu.memref_slice %arg8[%scan3A_7, %dma_wait3A_24] : memref<157x128xi32, #tpu.memory_space<vmem>> -> memref<1x128xi32, #tpu.memory_space<vmem>>
        %dma_wait3A_26 = tpu.memref_squeeze %dma_wait3A_25 : memref<1x128xi32, #tpu.memory_space<vmem>> -> memref<128xi32, #tpu.memory_space<vmem>>
        %dma_wait3A_27 = arith.constant 0 : i32
        %dma_wait3A_28 = arith.constant 0 : i32
        %dma_wait3A_29 = tpu.memref_slice %arg11[%dma_wait3A_27, %dma_wait3A_28] : memref<10240x64xf32, #tpu.memory_space<vmem_shared>> -> memref<10240x64xf32, #tpu.memory_space<vmem_shared>>
        tpu.wait_indirect_dma semaphore(%run_scoped3A : memref<!tpu.dma_semaphore, #tpu.memory_space<semaphore_mem>>) src(%arg9 : memref<128x64xf32, #tpu.memory_space<vmem>>) dst(%dma_wait3A_29 : memref<10240x64xf32, #tpu.memory_space<vmem_shared>>)
        tpu.yield
      }) : () -> ()
    }
    %scan3A_5 = arith.constant 157 : i32
    %barrier3A_6 = arith.constant 0 : index
    tpu.barrier barrier_id(%barrier3A_6)
    "tpu.region"() ({
      %run_scoped3A = tpu.sem_alloc : memref<!tpu.dma_semaphore, #tpu.memory_space<semaphore_mem>>
      %dma_start3A = arith.constant 0 : i32
      %dma_start3A_7 = tpu.memref_slice %arg6[%arg0, %mul3A_0, %dma_start3A] : memref<2x10240x64xf32, #tpu.memory_space<hbm>> -> memref<1x640x64xf32, #tpu.memory_space<hbm>>
      %dma_start3A_8 = tpu.memref_squeeze %dma_start3A_7 : memref<1x640x64xf32, #tpu.memory_space<hbm>> -> memref<640x64xf32, #tpu.memory_space<hbm>>
      %dma_start3A_9 = arith.constant 0 : i32
      %dma_start3A_10 = tpu.memref_slice %arg11[%mul3A_0, %dma_start3A_9] : memref<10240x64xf32, #tpu.memory_space<vmem_shared>> -> memref<640x64xf32, #tpu.memory_space<vmem_shared>>
      tpu.enqueue_dma source(%dma_start3A_10 : memref<640x64xf32, #tpu.memory_space<vmem_shared>>) target(%dma_start3A_8 : memref<640x64xf32, #tpu.memory_space<hbm>>) target_semaphore(%run_scoped3A : memref<!tpu.dma_semaphore, #tpu.memory_space<semaphore_mem>>)
      %dma_wait3A = arith.constant 0 : i32
      %dma_wait3A_11 = tpu.memref_slice %arg6[%arg0, %mul3A_0, %dma_wait3A] : memref<2x10240x64xf32, #tpu.memory_space<hbm>> -> memref<1x640x64xf32, #tpu.memory_space<hbm>>
      %dma_wait3A_12 = tpu.memref_squeeze %dma_wait3A_11 : memref<1x640x64xf32, #tpu.memory_space<hbm>> -> memref<640x64xf32, #tpu.memory_space<hbm>>
      %dma_wait3A_13 = arith.constant 0 : i32
      %dma_wait3A_14 = tpu.memref_slice %arg11[%mul3A_0, %dma_wait3A_13] : memref<10240x64xf32, #tpu.memory_space<vmem_shared>> -> memref<640x64xf32, #tpu.memory_space<vmem_shared>>
      tpu.wait_dma2 semaphore(%run_scoped3A : memref<!tpu.dma_semaphore, #tpu.memory_space<semaphore_mem>>) src(%dma_wait3A_14 : memref<640x64xf32, #tpu.memory_space<vmem_shared>>) dst(%dma_wait3A_12 : memref<640x64xf32, #tpu.memory_space<hbm>>)
      tpu.yield
    }) : () -> ()
    return
  }
}

#map = affine_map<(d0, d1) -> (0, 0, 0)>
#map1 = affine_map<(d0, d1) -> (0)>
#map2 = affine_map<(d0, d1) -> (0, 0)>
module attributes {stable_mosaic.version = 14 : i64} {
  func.func @deg(%arg0: i32, %arg1: i32, %arg2: memref<32x79x128xi32, #tpu.memory_space<hbm>>, %arg3: memref<128xf32, #tpu.memory_space<hbm>>, %arg4: memref<10240xf32, #tpu.memory_space<hbm>>, %arg5: memref<2x10240xf32, #tpu.memory_space<hbm>>, %arg6: memref<79x128xi32, #tpu.memory_space<vmem>>, %arg7: memref<128xf32, #tpu.memory_space<vmem>>, %arg8: memref<640xf32, #tpu.memory_space<vmem>>, %arg9: memref<10240xf32, #tpu.memory_space<vmem_shared>>) attributes {dimension_semantics = [#tpu.dimension_semantics<core_parallel>, #tpu.dimension_semantics<subcore_parallel>], iteration_bounds = array<i64: 2, 16>, scalar_prefetch = 0 : i64, scratch_operands = 4 : i64, tpu.core_type = #tpu.core_type<sc_vector_subcore>, window_params = [{transform_indices = #map}, {transform_indices = #map1}, {transform_indices = #map1}, {transform_indices = #map2}]} {
    %mul3A = arith.constant 16 : i32
    %mul3A_0 = arith.muli %arg0, %mul3A : i32
    %add3A = arith.addi %mul3A_0, %arg1 : i32
    %mul3A_1 = arith.constant 640 : i32
    %mul3A_2 = arith.muli %arg1, %mul3A_1 : i32
    "tpu.region"() ({
      %run_scoped3A = tpu.sem_alloc : memref<!tpu.dma_semaphore, #tpu.memory_space<semaphore_mem>>
      %dma_start3A = tpu.memref_slice %arg9[%mul3A_2] : memref<10240xf32, #tpu.memory_space<vmem_shared>> -> memref<640xf32, #tpu.memory_space<vmem_shared>>
      %dma_start3A_9 = tpu.memref_slice %arg4[%mul3A_2] : memref<10240xf32, #tpu.memory_space<hbm>> -> memref<640xf32, #tpu.memory_space<hbm>>
      tpu.enqueue_dma source(%dma_start3A_9 : memref<640xf32, #tpu.memory_space<hbm>>) target(%dma_start3A : memref<640xf32, #tpu.memory_space<vmem_shared>>) target_semaphore(%run_scoped3A : memref<!tpu.dma_semaphore, #tpu.memory_space<semaphore_mem>>)
      %dma_wait3A = tpu.memref_slice %arg9[%mul3A_2] : memref<10240xf32, #tpu.memory_space<vmem_shared>> -> memref<640xf32, #tpu.memory_space<vmem_shared>>
      %dma_wait3A_10 = tpu.memref_slice %arg4[%mul3A_2] : memref<10240xf32, #tpu.memory_space<hbm>> -> memref<640xf32, #tpu.memory_space<hbm>>
      tpu.wait_dma2 semaphore(%run_scoped3A : memref<!tpu.dma_semaphore, #tpu.memory_space<semaphore_mem>>) src(%dma_wait3A_10 : memref<640xf32, #tpu.memory_space<hbm>>) dst(%dma_wait3A : memref<640xf32, #tpu.memory_space<vmem_shared>>)
      tpu.yield
    }) : () -> ()
    "tpu.region"() ({
      %run_scoped3A = tpu.sem_alloc : memref<!tpu.dma_semaphore, #tpu.memory_space<semaphore_mem>>
      tpu.enqueue_dma source(%arg3 : memref<128xf32, #tpu.memory_space<hbm>>) target(%arg7 : memref<128xf32, #tpu.memory_space<vmem>>) target_semaphore(%run_scoped3A : memref<!tpu.dma_semaphore, #tpu.memory_space<semaphore_mem>>)
      tpu.wait_dma2 semaphore(%run_scoped3A : memref<!tpu.dma_semaphore, #tpu.memory_space<semaphore_mem>>) src(%arg3 : memref<128xf32, #tpu.memory_space<hbm>>) dst(%arg7 : memref<128xf32, #tpu.memory_space<vmem>>)
      tpu.yield
    }) : () -> ()
    "tpu.region"() ({
      %run_scoped3A = tpu.sem_alloc : memref<!tpu.dma_semaphore, #tpu.memory_space<semaphore_mem>>
      %dma_start3A = arith.constant 0 : i32
      %dma_start3A_9 = arith.constant 0 : i32
      %dma_start3A_10 = tpu.memref_slice %arg2[%add3A, %dma_start3A, %dma_start3A_9] : memref<32x79x128xi32, #tpu.memory_space<hbm>> -> memref<1x79x128xi32, #tpu.memory_space<hbm>>
      %dma_start3A_11 = tpu.memref_squeeze %dma_start3A_10 : memref<1x79x128xi32, #tpu.memory_space<hbm>> -> memref<79x128xi32, #tpu.memory_space<hbm>>
      %dma_start3A_12 = arith.constant 0 : i32
      %dma_start3A_13 = arith.constant 0 : i32
      %dma_start3A_14 = tpu.memref_slice %arg2[%add3A, %dma_start3A_12, %dma_start3A_13] : memref<32x79x128xi32, #tpu.memory_space<hbm>> -> memref<1x79x128xi32, #tpu.memory_space<hbm>>
      %dma_start3A_15 = tpu.memref_squeeze %dma_start3A_14 : memref<1x79x128xi32, #tpu.memory_space<hbm>> -> memref<79x128xi32, #tpu.memory_space<hbm>>
      tpu.enqueue_dma source(%dma_start3A_15 : memref<79x128xi32, #tpu.memory_space<hbm>>) target(%arg6 : memref<79x128xi32, #tpu.memory_space<vmem>>) target_semaphore(%run_scoped3A : memref<!tpu.dma_semaphore, #tpu.memory_space<semaphore_mem>>)
      %dma_wait3A = arith.constant 0 : i32
      %dma_wait3A_16 = arith.constant 0 : i32
      %dma_wait3A_17 = tpu.memref_slice %arg2[%add3A, %dma_wait3A, %dma_wait3A_16] : memref<32x79x128xi32, #tpu.memory_space<hbm>> -> memref<1x79x128xi32, #tpu.memory_space<hbm>>
      %dma_wait3A_18 = tpu.memref_squeeze %dma_wait3A_17 : memref<1x79x128xi32, #tpu.memory_space<hbm>> -> memref<79x128xi32, #tpu.memory_space<hbm>>
      %dma_wait3A_19 = arith.constant 0 : i32
      %dma_wait3A_20 = arith.constant 0 : i32
      %dma_wait3A_21 = tpu.memref_slice %arg2[%add3A, %dma_wait3A_19, %dma_wait3A_20] : memref<32x79x128xi32, #tpu.memory_space<hbm>> -> memref<1x79x128xi32, #tpu.memory_space<hbm>>
      %dma_wait3A_22 = tpu.memref_squeeze %dma_wait3A_21 : memref<1x79x128xi32, #tpu.memory_space<hbm>> -> memref<79x128xi32, #tpu.memory_space<hbm>>
      tpu.wait_dma2 semaphore(%run_scoped3A : memref<!tpu.dma_semaphore, #tpu.memory_space<semaphore_mem>>) src(%dma_wait3A_22 : memref<79x128xi32, #tpu.memory_space<hbm>>) dst(%arg6 : memref<79x128xi32, #tpu.memory_space<vmem>>)
      tpu.yield
    }) : () -> ()
    %barrier3A = arith.constant 0 : index
    tpu.barrier barrier_id(%barrier3A)
    %scan3A = arith.constant 0 : i32
    %scan3A_3 = arith.constant 0 : i32
    %scan3A_4 = arith.constant 79 : i32
    %scan3A_5 = arith.addi %scan3A_3, %scan3A_4 : i32
    %scan3A_6 = arith.constant 1 : i32
    scf.for %scan3A_9 = %scan3A_3 to %scan3A_5 step %scan3A_6  : i32 {
      "tpu.region"() ({
        %run_scoped3A = tpu.sem_alloc : memref<!tpu.dma_semaphore, #tpu.memory_space<semaphore_mem>>
        %dma_start3A = arith.constant 0 : i32
        %dma_start3A_10 = tpu.memref_slice %arg6[%scan3A_9, %dma_start3A] : memref<79x128xi32, #tpu.memory_space<vmem>> -> memref<1x128xi32, #tpu.memory_space<vmem>>
        %dma_start3A_11 = tpu.memref_squeeze %dma_start3A_10 : memref<1x128xi32, #tpu.memory_space<vmem>> -> memref<128xi32, #tpu.memory_space<vmem>>
        %dma_start3A_12 = arith.constant 0 : i32
        %dma_start3A_13 = tpu.memref_slice %arg9[%dma_start3A_12] : memref<10240xf32, #tpu.memory_space<vmem_shared>> -> memref<10240xf32, #tpu.memory_space<vmem_shared>>
        tpu.enqueue_indirect_dma source(%arg7 : memref<128xf32, #tpu.memory_space<vmem>>) target(%dma_start3A_13 : memref<10240xf32, #tpu.memory_space<vmem_shared>>) offsets(%dma_start3A_11 : memref<128xi32, #tpu.memory_space<vmem>>) semaphore(%run_scoped3A : memref<!tpu.dma_semaphore, #tpu.memory_space<semaphore_mem>>) {add = true}
        %dma_wait3A = arith.constant 0 : i32
        %dma_wait3A_14 = tpu.memref_slice %arg6[%scan3A_9, %dma_wait3A] : memref<79x128xi32, #tpu.memory_space<vmem>> -> memref<1x128xi32, #tpu.memory_space<vmem>>
        %dma_wait3A_15 = tpu.memref_squeeze %dma_wait3A_14 : memref<1x128xi32, #tpu.memory_space<vmem>> -> memref<128xi32, #tpu.memory_space<vmem>>
        %dma_wait3A_16 = arith.constant 0 : i32
        %dma_wait3A_17 = tpu.memref_slice %arg9[%dma_wait3A_16] : memref<10240xf32, #tpu.memory_space<vmem_shared>> -> memref<10240xf32, #tpu.memory_space<vmem_shared>>
        tpu.wait_indirect_dma semaphore(%run_scoped3A : memref<!tpu.dma_semaphore, #tpu.memory_space<semaphore_mem>>) src(%arg7 : memref<128xf32, #tpu.memory_space<vmem>>) dst(%dma_wait3A_17 : memref<10240xf32, #tpu.memory_space<vmem_shared>>)
        tpu.yield
      }) : () -> ()
    }
    %scan3A_7 = arith.constant 79 : i32
    %barrier3A_8 = arith.constant 0 : index
    tpu.barrier barrier_id(%barrier3A_8)
    "tpu.region"() ({
      %run_scoped3A = tpu.sem_alloc : memref<!tpu.dma_semaphore, #tpu.memory_space<semaphore_mem>>
      %dma_start3A = tpu.memref_slice %arg9[%mul3A_2] : memref<10240xf32, #tpu.memory_space<vmem_shared>> -> memref<640xf32, #tpu.memory_space<vmem_shared>>
      %dma_start3A_9 = tpu.memref_slice %arg9[%mul3A_2] : memref<10240xf32, #tpu.memory_space<vmem_shared>> -> memref<640xf32, #tpu.memory_space<vmem_shared>>
      tpu.enqueue_dma source(%dma_start3A_9 : memref<640xf32, #tpu.memory_space<vmem_shared>>) target(%arg8 : memref<640xf32, #tpu.memory_space<vmem>>) target_semaphore(%run_scoped3A : memref<!tpu.dma_semaphore, #tpu.memory_space<semaphore_mem>>)
      %dma_wait3A = tpu.memref_slice %arg9[%mul3A_2] : memref<10240xf32, #tpu.memory_space<vmem_shared>> -> memref<640xf32, #tpu.memory_space<vmem_shared>>
      %dma_wait3A_10 = tpu.memref_slice %arg9[%mul3A_2] : memref<10240xf32, #tpu.memory_space<vmem_shared>> -> memref<640xf32, #tpu.memory_space<vmem_shared>>
      tpu.wait_dma2 semaphore(%run_scoped3A : memref<!tpu.dma_semaphore, #tpu.memory_space<semaphore_mem>>) src(%dma_wait3A_10 : memref<640xf32, #tpu.memory_space<vmem_shared>>) dst(%arg8 : memref<640xf32, #tpu.memory_space<vmem>>)
      tpu.yield
    }) : () -> ()
    "tpu.region"() ({
      %run_scoped3A = tpu.sem_alloc : memref<!tpu.dma_semaphore, #tpu.memory_space<semaphore_mem>>
      %dma_start3A = tpu.memref_slice %arg5[%arg0, %mul3A_2] : memref<2x10240xf32, #tpu.memory_space<hbm>> -> memref<1x640xf32, #tpu.memory_space<hbm>>
      %dma_start3A_9 = tpu.memref_squeeze %dma_start3A : memref<1x640xf32, #tpu.memory_space<hbm>> -> memref<640xf32, #tpu.memory_space<hbm>>
      %dma_start3A_10 = tpu.memref_slice %arg5[%arg0, %mul3A_2] : memref<2x10240xf32, #tpu.memory_space<hbm>> -> memref<1x640xf32, #tpu.memory_space<hbm>>
      %dma_start3A_11 = tpu.memref_squeeze %dma_start3A_10 : memref<1x640xf32, #tpu.memory_space<hbm>> -> memref<640xf32, #tpu.memory_space<hbm>>
      tpu.enqueue_dma source(%arg8 : memref<640xf32, #tpu.memory_space<vmem>>) target(%dma_start3A_11 : memref<640xf32, #tpu.memory_space<hbm>>) target_semaphore(%run_scoped3A : memref<!tpu.dma_semaphore, #tpu.memory_space<semaphore_mem>>)
      %dma_wait3A = tpu.memref_slice %arg5[%arg0, %mul3A_2] : memref<2x10240xf32, #tpu.memory_space<hbm>> -> memref<1x640xf32, #tpu.memory_space<hbm>>
      %dma_wait3A_12 = tpu.memref_squeeze %dma_wait3A : memref<1x640xf32, #tpu.memory_space<hbm>> -> memref<640xf32, #tpu.memory_space<hbm>>
      %dma_wait3A_13 = tpu.memref_slice %arg5[%arg0, %mul3A_2] : memref<2x10240xf32, #tpu.memory_space<hbm>> -> memref<1x640xf32, #tpu.memory_space<hbm>>
      %dma_wait3A_14 = tpu.memref_squeeze %dma_wait3A_13 : memref<1x640xf32, #tpu.memory_space<hbm>> -> memref<640xf32, #tpu.memory_space<hbm>>
      tpu.wait_dma2 semaphore(%run_scoped3A : memref<!tpu.dma_semaphore, #tpu.memory_space<semaphore_mem>>) src(%arg8 : memref<640xf32, #tpu.memory_space<vmem>>) dst(%dma_wait3A_14 : memref<640xf32, #tpu.memory_space<hbm>>)
      tpu.yield
    }) : () -> ()
    return
  }
}

module attributes {stable_mosaic.version = 14 : i64} {
  func.func @_prep_body(%arg0: i32, %arg1: memref<2x10240xf32, #tpu.memory_space<vmem>>, %arg2: memref<10240x128xf32, #tpu.memory_space<vmem>>, %arg3: memref<2x10240x64xf32, #tpu.memory_space<vmem>>) attributes {dimension_semantics = [#tpu.dimension_semantics<arbitrary>], iteration_bounds = array<i64: 1>, scalar_prefetch = 0 : i64, scratch_operands = 0 : i64, tpu.core_type = #tpu.core_type<tc>, window_params = [{pipeline_mode = #tpu.pipeline_mode<synchronous>, transform_indices = @transform_0, window_bounds = array<i64: 2, 10240>}, {transform_indices = @transform_1, window_bounds = array<i64: 10240, 128>}, {transform_indices = @transform_2, window_bounds = array<i64: 2, 10240, 64>}]} {
    %mul3A = arith.constant 10240 : i32
    %mul3A_0 = arith.muli %arg0, %mul3A : i32
    %get3A = arith.constant 0 : index
    %get3A_1 = arith.index_cast %mul3A_0 : i32 to index
    %get3A_2 = vector.load %arg1[%get3A, %get3A_1] : memref<2x10240xf32, #tpu.memory_space<vmem>>, vector<1x10240xf32>
    %get3A_3 = vector.shape_cast %get3A_2 : vector<1x10240xf32> to vector<10240xf32>
    %mul3A_4 = arith.constant 10240 : i32
    %mul3A_5 = arith.muli %arg0, %mul3A_4 : i32
    %get3A_6 = arith.constant 1 : index
    %get3A_7 = arith.index_cast %mul3A_5 : i32 to index
    %get3A_8 = vector.load %arg1[%get3A_6, %get3A_7] : memref<2x10240xf32, #tpu.memory_space<vmem>>, vector<1x10240xf32>
    %get3A_9 = vector.shape_cast %get3A_8 : vector<1x10240xf32> to vector<10240xf32>
    %add3A = arith.addf %get3A_3, %get3A_9 : vector<10240xf32>
    %add3A_10 = arith.constant 1.000000e+00 : f32
    %add3A_11 = vector.broadcast %add3A_10 : f32 to vector<10240xf32>
    %add3A_12 = arith.addf %add3A, %add3A_11 : vector<10240xf32>
    %rsqrt3A = math.rsqrt %add3A_12 : vector<10240xf32>
    %get3A_13 = arith.constant 0 : index
    %get3A_14 = arith.constant 0 : index
    %get3A_15 = vector.load %arg2[%get3A_13, %get3A_14] : memref<10240x128xf32, #tpu.memory_space<vmem>>, vector<10240x128xf32>
    %broadcast_in_dim3A = vector.shape_cast %rsqrt3A : vector<10240xf32> to vector<10240x1xf32>
    %mul3A_16 = vector.broadcast %broadcast_in_dim3A : vector<10240x1xf32> to vector<10240x128xf32>
    %mul3A_17 = arith.mulf %get3A_15, %mul3A_16 : vector<10240x128xf32>
    %slice3A = vector.extract_strided_slice %mul3A_17 {offsets = [0, 0], sizes = [10240, 64], strides = [1, 1]} : vector<10240x128xf32> to vector<10240x64xf32>
    %swap3A = arith.constant 0 : index
    %swap3A_18 = arith.constant 0 : index
    %swap3A_19 = arith.constant 0 : index
    %swap3A_20 = vector.load %arg3[%swap3A, %swap3A_18, %swap3A_19] : memref<2x10240x64xf32, #tpu.memory_space<vmem>>, vector<1x10240x64xf32>
    %swap3A_21 = vector.shape_cast %swap3A_20 : vector<1x10240x64xf32> to vector<10240x64xf32>
    %swap3A_22 = vector.shape_cast %slice3A : vector<10240x64xf32> to vector<1x10240x64xf32>
    tpu.vector_store %arg3[%swap3A, %swap3A_18, %swap3A_19], %swap3A_22 {strides = array<i32>} : memref<2x10240x64xf32, #tpu.memory_space<vmem>>, vector<1x10240x64xf32>,
    %slice3A_23 = vector.extract_strided_slice %mul3A_17 {offsets = [0, 64], sizes = [10240, 64], strides = [1, 1]} : vector<10240x128xf32> to vector<10240x64xf32>
    %swap3A_24 = arith.constant 1 : index
    %swap3A_25 = arith.constant 0 : index
    %swap3A_26 = arith.constant 0 : index
    %swap3A_27 = vector.load %arg3[%swap3A_24, %swap3A_25, %swap3A_26] : memref<2x10240x64xf32, #tpu.memory_space<vmem>>, vector<1x10240x64xf32>
    %swap3A_28 = vector.shape_cast %swap3A_27 : vector<1x10240x64xf32> to vector<10240x64xf32>
    %swap3A_29 = vector.shape_cast %slice3A_23 : vector<10240x64xf32> to vector<1x10240x64xf32>
    tpu.vector_store %arg3[%swap3A_24, %swap3A_25, %swap3A_26], %swap3A_29 {strides = array<i32>} : memref<2x10240x64xf32, #tpu.memory_space<vmem>>, vector<1x10240x64xf32>,
    return
  }
  func.func @transform_0(%arg0: i32) -> (i32, i32) {
    %c0_i32 = arith.constant 0 : i32
    %c0_i32_0 = arith.constant 0 : i32
    %c0_i32_1 = arith.constant 0 : i32
    return %c0_i32, %c0_i32_0 : i32, i32
  }
  func.func @transform_1(%arg0: i32) -> (i32, i32) {
    %c0_i32 = arith.constant 0 : i32
    %c0_i32_0 = arith.constant 0 : i32
    return %arg0, %c0_i32 : i32, i32
  }
  func.func @transform_2(%arg0: i32) -> (i32, i32, i32) {
    %c0_i32 = arith.constant 0 : i32
    %c0_i32_0 = arith.constant 0 : i32
    %c0_i32_1 = arith.constant 0 : i32
    return %c0_i32, %arg0, %c0_i32_0 : i32, i32, i32
  }
}

module attributes {stable_mosaic.version = 14 : i64} {
  func.func @_out_body(%arg0: i32, %arg1: memref<2x10240x64xf32, #tpu.memory_space<vmem>>, %arg2: memref<2x10240xf32, #tpu.memory_space<vmem>>, %arg3: memref<128x128xf32, #tpu.memory_space<vmem>>, %arg4: memref<1x128xf32, #tpu.memory_space<vmem>>, %arg5: memref<10240x128xf32, #tpu.memory_space<vmem>>) attributes {dimension_semantics = [#tpu.dimension_semantics<arbitrary>], iteration_bounds = array<i64: 1>, scalar_prefetch = 0 : i64, scratch_operands = 0 : i64, tpu.core_type = #tpu.core_type<tc>, window_params = [{transform_indices = @transform_0, window_bounds = array<i64: 2, 10240, 64>}, {pipeline_mode = #tpu.pipeline_mode<synchronous>, transform_indices = @transform_1, window_bounds = array<i64: 2, 10240>}, {pipeline_mode = #tpu.pipeline_mode<synchronous>, transform_indices = @transform_2, window_bounds = array<i64: 128, 128>}, {pipeline_mode = #tpu.pipeline_mode<synchronous>, transform_indices = @transform_3, window_bounds = array<i64: 1, 128>}, {transform_indices = @transform_4, window_bounds = array<i64: 10240, 128>}]} {
    %mul3A = arith.constant 10240 : i32
    %mul3A_0 = arith.muli %arg0, %mul3A : i32
    %get3A = arith.constant 0 : index
    %get3A_1 = arith.index_cast %mul3A_0 : i32 to index
    %get3A_2 = vector.load %arg2[%get3A, %get3A_1] : memref<2x10240xf32, #tpu.memory_space<vmem>>, vector<1x10240xf32>
    %get3A_3 = vector.shape_cast %get3A_2 : vector<1x10240xf32> to vector<10240xf32>
    %mul3A_4 = arith.constant 10240 : i32
    %mul3A_5 = arith.muli %arg0, %mul3A_4 : i32
    %get3A_6 = arith.constant 1 : index
    %get3A_7 = arith.index_cast %mul3A_5 : i32 to index
    %get3A_8 = vector.load %arg2[%get3A_6, %get3A_7] : memref<2x10240xf32, #tpu.memory_space<vmem>>, vector<1x10240xf32>
    %get3A_9 = vector.shape_cast %get3A_8 : vector<1x10240xf32> to vector<10240xf32>
    %add3A = arith.addf %get3A_3, %get3A_9 : vector<10240xf32>
    %max3A = arith.constant 1.000000e+00 : f32
    %max3A_10 = vector.broadcast %max3A : f32 to vector<10240xf32>
    %max3A_11 = arith.maximumf %add3A, %max3A_10 : vector<10240xf32>
    %div3A = arith.constant 1.000000e+00 : f32
    %div3A_12 = vector.broadcast %div3A : f32 to vector<10240xf32>
    %div3A_13 = arith.divf %div3A_12, %max3A_11 : vector<10240xf32>
    %get3A_14 = arith.constant 0 : index
    %get3A_15 = arith.constant 0 : index
    %get3A_16 = arith.constant 0 : index
    %get3A_17 = vector.load %arg1[%get3A_14, %get3A_15, %get3A_16] : memref<2x10240x64xf32, #tpu.memory_space<vmem>>, vector<1x10240x64xf32>
    %get3A_18 = vector.shape_cast %get3A_17 : vector<1x10240x64xf32> to vector<10240x64xf32>
    %get3A_19 = arith.constant 1 : index
    %get3A_20 = arith.constant 0 : index
    %get3A_21 = arith.constant 0 : index
    %get3A_22 = vector.load %arg1[%get3A_19, %get3A_20, %get3A_21] : memref<2x10240x64xf32, #tpu.memory_space<vmem>>, vector<1x10240x64xf32>
    %get3A_23 = vector.shape_cast %get3A_22 : vector<1x10240x64xf32> to vector<10240x64xf32>
    %concatenate3A = tpu.concatenate %get3A_18, %get3A_23 in 1 : vector<10240x64xf32>, vector<10240x64xf32> -> vector<10240x128xf32>
    %broadcast_in_dim3A = vector.shape_cast %div3A_13 : vector<10240xf32> to vector<10240x1xf32>
    %mul3A_24 = vector.broadcast %broadcast_in_dim3A : vector<10240x1xf32> to vector<10240x128xf32>
    %mul3A_25 = arith.mulf %concatenate3A, %mul3A_24 : vector<10240x128xf32>
    %get3A_26 = arith.constant 0 : index
    %get3A_27 = arith.constant 0 : index
    %get3A_28 = vector.load %arg3[%get3A_26, %get3A_27] : memref<128x128xf32, #tpu.memory_space<vmem>>, vector<128x128xf32>
    %dot_general3A = arith.constant dense<0.000000e+00> : vector<10240x128xf32>
    %dot_general3A_29 = tpu.matmul %mul3A_25, %get3A_28, %dot_general3A {dimension_numbers = #tpu.dot_dimension_numbers<[1], [1], [0], [0], [0, 0, 1, 0], [], []>, transpose_lhs_hint = false} : vector<10240x128xf32>, vector<128x128xf32>, vector<10240x128xf32> -> vector<10240x128xf32>
    %get3A_30 = arith.constant 0 : index
    %get3A_31 = arith.constant 0 : index
    %get3A_32 = vector.load %arg4[%get3A_30, %get3A_31] : memref<1x128xf32, #tpu.memory_space<vmem>>, vector<1x128xf32>
    %add3A_33 = vector.broadcast %get3A_32 : vector<1x128xf32> to vector<10240x128xf32>
    %add3A_34 = arith.addf %dot_general3A_29, %add3A_33 : vector<10240x128xf32>
    %swap3A = arith.constant 0 : index
    %swap3A_35 = arith.constant 0 : index
    %swap3A_36 = vector.load %arg5[%swap3A, %swap3A_35] : memref<10240x128xf32, #tpu.memory_space<vmem>>, vector<10240x128xf32>
    tpu.vector_store %arg5[%swap3A, %swap3A_35], %add3A_34 {strides = array<i32>} : memref<10240x128xf32, #tpu.memory_space<vmem>>, vector<10240x128xf32>,
    return
  }
  func.func @transform_0(%arg0: i32) -> (i32, i32, i32) {
    %c0_i32 = arith.constant 0 : i32
    %c0_i32_0 = arith.constant 0 : i32
    %c0_i32_1 = arith.constant 0 : i32
    return %c0_i32, %arg0, %c0_i32_0 : i32, i32, i32
  }
  func.func @transform_1(%arg0: i32) -> (i32, i32) {
    %c0_i32 = arith.constant 0 : i32
    %c0_i32_0 = arith.constant 0 : i32
    %c0_i32_1 = arith.constant 0 : i32
    return %c0_i32, %c0_i32_0 : i32, i32
  }
  func.func @transform_2(%arg0: i32) -> (i32, i32) {
    %c0_i32 = arith.constant 0 : i32
    %c0_i32_0 = arith.constant 0 : i32
    %c0_i32_1 = arith.constant 0 : i32
    return %c0_i32, %c0_i32_0 : i32, i32
  }
  func.func @transform_3(%arg0: i32) -> (i32, i32) {
    %c0_i32 = arith.constant 0 : i32
    %c0_i32_0 = arith.constant 0 : i32
    %c0_i32_1 = arith.constant 0 : i32
    return %c0_i32, %c0_i32_0 : i32, i32
  }
  func.func @transform_4(%arg0: i32) -> (i32, i32) {
    %c0_i32 = arith.constant 0 : i32
    %c0_i32_0 = arith.constant 0 : i32
    return %arg0, %c0_i32 : i32, i32
  }
}

</mosaic_0001>

<sc_bundles>
// kernel: kernel.6.cloned.1.call-start
scs
__scs_entry_jumppad:
0x0: {  	(pc) =	sbr.rel $0x88, $3  }
0x1: {  	(tag) =	ssettag $0x0;
	lr =	simm.s32 $0x1  }
0x2: {  	[smem:$0x3F9D] =	sst lr;
	_ =	strace $0xD0000000  }
0x3: {  	_ = 	snop  }
0x4: {  	_ = 	snop  }
0x5: {  	_ = 	snop  }
0x6: {  	_ = 	snop  }
0x7: {  	_ = 	snop  }
__scs_overlays_trampoline_lowered:
0x8: {  	[smem:$0x3FAC] =	sst s0  }
0x9: {  	[smem:$0x3FAD] =	sst s1  }
0xa: {  	[smem:$0x3FAE] =	sst s2  }
0xb: {  	[smem:$0x3FAF] =	sst s3  }
0xc: {  	[smem:$0x3FB0] =	sst s4  }
0xd: {  	[smem:$0x3FB1] =	sst s5  }
0xe: {  	[smem:$0x3FB2] =	sst s6  }
0xf: {  	[smem:$0x3FB3] =	sst s7  }
0x10: {  	[smem:$0x3FB4] =	sst s8  }
0x11: {  	[smem:$0x3FB5] =	sst s9;
	s0 =	simm.s32 @!p0 $0x0  }
0x12: {  	s1 =	sld [smem:$0x3F9B];
	s0 =	simm.s32 @p0 $0x1  }
0x13: {  	[smem:$0x3FB6] =	sst s0;
	s0 =	simm.s32 @!p1 $0x0  }
0x14: {  	s2 =	sld [smem:$0x3F9A];
	s0 =	simm.s32 @p1 $0x1  }
0x15: {  	[smem:$0x3FB7] =	sst s0;
	s0 =	simm.s32 @!p2 $0x0  }
0x16: {  	s3 =	sld [smem:$0x3FDB];
	s0 =	simm.s32 @p2 $0x1  }
0x17: {  	s4 =	simm.s32 $0x1BF5;
	[smem:$0x3FB9] =	sst s0  }
0x18: {  	s0 =	sld [smem:$0x3F9C];
	_ =	swait.ge [sflag:s4], $0x0  }
0x19: {  	s7 =	sld [smem:$0x3F9D]  }
0x1a: {  	s8 =	sadd.s32 $0xFFFFE003, lr  }
0x1b: {  	s9 =	sadd.s32 $0xFFFFFEF7, lr;
	s5 =	simm.s32 $0xFFFFFFFF;
	p2 =	slt.u32 s8, $0xFFFFF086  }
0x1c: {  	p1 =	slt.u32 s9, $0xF7A;
	s5 =	simm.s32 @!p2 $0x0  }
0x1d: {  	s5 =	simm.s32 @p1 $0x1;
	p0 =	seq.s32 s7, s2  }
0x1e: {  	s7 =	smul.u32 @!p0 $0xF7A, s2;
	p2 =	seq.s32 @!p0 s5, $0x0  }
0x1f: {  	s9 =	smul.u32 $0xF7A, s1;
	s8 =	simm.s32 @!p0 $0x1BF5;
	p2 =	por !p2, p0  }
0x20: {  	[sflag:s8] =	ssyncset.s32 @!p0 $0xFFFFF086;
	s6 =	sadd.s32 @!p0 s3, s7;
	s7 =	simm.s32 @!p0 $0x108  }
0x21: {  	s3 =	sadd.s32 s3, s9;
	s6 =	sadd.s32 @!p0 $0x88, s6;
	s7 =	simm.s32 @p2 $0x1082  }
0x22: {  	[simem:s7], [sflag:s8] =	dma.local @!p0 [hbm:s6], $0xF7A  }
0x23: {  	s9 =	sor.u32 $0xD0000000, s2;
	s6 =	simm.s32 $0x108;
	_ =	swait.ge @!p0 [sflag:s8], $0x0  }
0x24: {  	s3 =	sadd.s32 $0x88, s3;
	s6 =	simm.s32 @!p1 $0x1082;
	[sflag:s4] =	ssyncset.s32 $0xFFFFF086  }
0x25: {  	[simem:s6], [sflag:s4] =	dma.local [hbm:s3], $0xF7A  }
0x26: {  	[smem:$0x3F9D] =	sst s1;
	(tag) =	ssettag s2;
	_ =	strace s9  }
0x27: {  	s1 =	sld [smem:$0x3FAD]  }
0x28: {  	s2 =	sld [smem:$0x3FAE]  }
0x29: {  	s4 =	sld [smem:$0x3FB0]  }
0x2a: {  	p0 =	seq.s32 s5, $0x0;
	s5 =	sld [smem:$0x3FB1]  }
0x2b: {  	s6 =	sld [smem:$0x3FB2]  }
0x2c: {  	s7 =	sld [smem:$0x3FB3]  }
0x2d: {  	s3 =	simm.s32 $0x108;
	s8 =	sld [smem:$0x3FB4]  }
0x2e: {  	s3 =	simm.s32 @!p0 $0x1082;
	s9 =	sld [smem:$0x3FB5]  }
0x2f: {  	lr =	sadd.s32 s0, s3;
	s0 =	sld [smem:$0x3FAC]  }
0x30: {  	s3 =	sld [smem:$0x3FAF]  }
0x31: {  	[smem:$0x3FB8] =	sst s10  }
0x32: {  	s10 =	sld [smem:$0x3FB6];
	_ =	sdelay $0x3  }
0x33: {  	p0 =	seq.s32 s10, $0x1;
	s10 =	sld [smem:$0x3FB8];
	_ =	sdelay $0x3  }
0x34: {  	[smem:$0x3FB8] =	sst s10  }
0x35: {  	s10 =	sld [smem:$0x3FB7];
	_ =	sdelay $0x3  }
0x36: {  	p1 =	seq.s32 s10, $0x1;
	s10 =	sld [smem:$0x3FB8];
	_ =	sdelay $0x3  }
0x37: {  	[smem:$0x3FB8] =	sst s10  }
0x38: {  	s10 =	sld [smem:$0x3FB9]  }
0x39: {  	_ = 	snop;
	(pc) =	sbr.ind lr, $3  }
0x3a: {  	_ = 	snop  }
0x3b: {  	_ = 	snop  }
0x3c: {  	p2 =	seq.s32 s10, $0x1;
	s10 =	sld [smem:$0x3FB8]  }
0x3d: {  	_ =	shalt  }
0x3e: {  	_ =	shalt  }
0x3f: {  	_ =	shalt  }
0x40: {  	_ =	shalt  }
0x41: {  	_ =	shalt  }
0x42: {  	_ =	shalt  }
0x43: {  	_ =	shalt  }
0x44: {  	_ =	shalt  }
0x45: {  	_ =	shalt  }
0x46: {  	_ =	shalt  }
0x47: {  	_ =	shalt  }
0x48: {  	_ =	shalt  }
0x49: {  	_ =	shalt  }
0x4a: {  	_ =	shalt  }
0x4b: {  	_ =	shalt  }
0x4c: {  	_ =	shalt  }
0x4d: {  	_ =	shalt  }
0x4e: {  	_ =	shalt  }
0x4f: {  	_ =	shalt  }
0x50: {  	_ =	shalt  }
0x51: {  	_ =	shalt  }
0x52: {  	_ =	shalt  }
0x53: {  	_ =	shalt  }
0x54: {  	_ =	shalt  }
0x55: {  	_ =	shalt  }
0x56: {  	_ =	shalt  }
0x57: {  	_ =	shalt  }
0x58: {  	_ =	shalt  }
0x59: {  	_ =	shalt  }
0x5a: {  	_ =	shalt  }
0x5b: {  	_ =	shalt  }
0x5c: {  	_ =	shalt  }
0x5d: {  	_ =	shalt  }
0x5e: {  	_ =	shalt  }
0x5f: {  	_ =	shalt  }
0x60: {  	_ =	shalt  }
0x61: {  	_ =	shalt  }
0x62: {  	_ =	shalt  }
0x63: {  	_ =	shalt  }
0x64: {  	_ =	shalt  }
0x65: {  	_ =	shalt  }
0x66: {  	_ =	shalt  }
0x67: {  	_ =	shalt  }
0x68: {  	_ =	shalt  }
0x69: {  	_ =	shalt  }
0x6a: {  	_ =	shalt  }
0x6b: {  	_ =	shalt  }
0x6c: {  	_ =	shalt  }
0x6d: {  	_ =	shalt  }
0x6e: {  	_ =	shalt  }
0x6f: {  	_ =	shalt  }
0x70: {  	_ =	shalt  }
0x71: {  	_ =	shalt  }
0x72: {  	_ =	shalt  }
0x73: {  	_ =	shalt  }
0x74: {  	_ =	shalt  }
0x75: {  	_ =	shalt  }
0x76: {  	_ =	shalt  }
0x77: {  	_ =	shalt  }
0x78: {  	_ =	shalt  }
0x79: {  	_ =	shalt  }
0x7a: {  	_ =	shalt  }
0x7b: {  	_ =	shalt  }
0x7c: {  	_ =	shalt  }
0x7d: {  	_ =	shalt  }
0x7e: {  	_ =	shalt  }
0x7f: {  	_ =	shalt  }
0x80: {  	_ =	shalt  }
0x81: {  	_ =	shalt  }
0x82: {  	_ =	shalt  }
0x83: {  	_ =	shalt  }
0x84: {  	_ =	shalt  }
0x85: {  	_ =	shalt  }
0x86: {  	_ =	shalt  }
0x87: {  	_ =	shalt  }
.Lfunc_end0:
.L_simem_size_0:
called_computation_lowered:
.L_overlay_start_0:
0x88: {  	s2 =	sld [smem:$0x3FD9]  }
0x89: {  	s3 =	sld [smem:$0x3FFE];
	_ =	sdelay $0x1  }
0x8a: {  	s1 =	srdreg.scid  }
0x8b: {  	s0 =	sand.u32 $0x1, s1  }
0x8c: {  	s17 =	sshll.u32 s0, $0xA;
	s2 =	sadd.s32 s3, s2  }
0x8d: {  	s2 =	sadd.s32 s2, s17  }
0x8e: {  	[smem:$0x3FC4] =	sst s2  }
0x8f: {  	_ = 	snop  }
0x90: {  	s2 =	sld [smem:$0x3FD0];
	(tm) =	ssettm $0x1  }
0x91: {  	s18 =	sld [smem:$0x3FFB];
	_ =	sdelay $0x3  }
0x92: {  	_ =	strace s18  }
0x93: {  	s3 =	sld [smem:$0x3FFC];
	_ =	sdelay $0x3  }
0x94: {  	_ =	strace s3  }
0x95: {  	s3 =	sld [smem:$0x3FFD];
	_ =	sdelay $0x3  }
0x96: {  	_ =	strace s3  }
0x97: {  	_ =	strace $0x8FFFFFFF  }
0x98: {  	s19 =	sld [smem:$0x3FDB];
	_ =	sdelay $0x1  }
0x99: {  	s4 =	simm.s32 $_scs_section_size  }
0x9a: {  	s5 =	simm.s32 $_size__tile_overlayer_lowered;
	s6 =	simm.s32 $_tile_overlayer_lowered  }
0x9b: {  	s22 =	simm.s32 $0x1BFF;
	s21 =	sshll.u32 s6, $0x1;
	s3 =	sadd.s32 s4, s19  }
0x9c: {  	s7 =	simm.s32 $0x0;
	s20 =	sshll.u32 s5, $0x1;
	s5 =	sadd.s32 s21, s3  }
0x9d: {  	[timem:s7], [sflag:s22] =	dma.local [hbm:s5], s20  }
0x9e: {  	_ =	swait.ge [sflag:s22], s20  }
0x9f: {  	s4 =	ssub.s32 $0x0, s20;
	[sflag:s22] =	ssyncset.done $0x0  }
0xa0: {  	[sflag:s22] =	ssyncadd.s32 s4;
	_ =	sdelay $0x1  }
0xa1: {  	s23 =	simm.s32 $0x1B8B  }
0xa2: {  	_ =	swait.ge [sflag:s23], $0x1  }
0xa3: {  	[sflag:s23] =	ssyncset.done $0x0  }
0xa4: {  	s25 =	simm.s32 $0x1B8E;
	s24 =	sld [smem:$0x3FFE];
	[sflag:s23] =	ssyncadd.s32 $0xFFFFFFFF  }
0xa5: {  	s26 =	simm.s32 $execute0_lowered;
	[smem:$0x3FD2] =	sst s25  }
0xa6: {  	s5 =	sshll.u32 s26, $0x1;
	_ =	strace $0x80000046;
	[dreg:$0x1] =	wrdreg $0xFFFFFFFF  }
0xa7: {  	s28 =	simm.s32 $_size_execute0_lowered;
	s3 =	sadd.s32 s3, s5;
	[dreg:$0x0] =	wrdreg $0x0  }
0xa8: {  	s5 =	sshll.u32 s28, $0x1;
	[dreg:$0x2] =	wrdreg s3  }
0xa9: {  	[dreg:$0x3] =	wrdreg s5  }
0xaa: {  	[dreg:$0x4] =	wrdreg $0xC0  }
0xab: {  	_ =	task [dreg:s7], $0x5FFFF  }
0xac: {  	[dreg:$0x1] =	wrdreg $0xFFFFFFFF  }
0xad: {  	[dreg:$0x0] =	wrdreg $0x60  }
0xae: {  	[dreg:$0x2] =	wrdreg s2  }
0xaf: {  	[dreg:$0x3] =	wrdreg s24  }
0xb0: {  	[dreg:$0x4] =	wrdreg $0x2B000  }
0xb1: {  	[dreg:$0x5] =	wrdreg $0x9  }
0xb2: {  	_ =	task.clear_ibuf [dreg:s7], $0x6FFFF;
	_ =	strace $0x90000046  }
0xb3: {  	s29 =	simm.s32 $0x9;
	_ =	strace $0x80000048  }
0xb4: {  	_ =	swait.ge [sflag:s29], $0x1  }
0xb5: {  	[sflag:s29] =	ssyncadd.s32 $0xFFFFFFFF  }
0xb6: {  	_ =	strace $0x90000048  }
0xb7: {  	_ =	sfence  }
0xb8: {  	s30 =	sld [smem:$0x0];
	_ =	sdelay $0x2  }
0xb9: {  	s31 =	sshll.u32 s1, $0xD;
	s1 =	sshrl.u32 s1, $0x2  }
0xba: {  	s3 =	sand.u32 $0x4000, s31;
	s1 =	sadd.s32 s1, s30  }
0xbb: {  	s0 =	sor.u32 s3, s0;
	s1 =	sshll.u32 s1, $0x11  }
0xbc: {  	s0 =	sor.u32 s1, s0  }
0xbd: {  	s0 =	sadd.s32 $0x8F2B, s0  }
0xbe: {  	[sflag:s0] =	ssyncadd.remote.s32 $0x1  }
0xbf: {  	_ =	sfence.sel $0xFFFF  }
0xc0: {  	[dreg:$0x0] =	wrdreg $0xFFFFFFFF;
	(pc) =	sbr.abs _section_cstart, $3  }
0xc1: {  	[dreg:$0x1] =	wrdreg $0xFFFFFFFF  }
0xc2: {  	_ =	task.clear_ibuf [dreg:s7], $0x2FFFF;
	_ =	strace $0x9FFFFFFF  }
0xc3: {  	(tm) =	ssettm $0x7FFFFFFF  }
tec
execute0_lowered:
.L_overlay_start_1:
0x0: {  	(tag) =	ssettag $0x1  }
0x1: {  	s8 =	rddreg [dreg:$0x0]  }
0x2: {  	s5 =	rddreg [dreg:$0x1]  }
0x3: {  	s2 =	rddreg [dreg:$0x2]  }
0x4: {  	s0 =	rddreg [dreg:$0x3];
	s3 =	simm.s32 $0x0;
	s1 =	stileid.u32  }
0x5: {  	s4 =	srdreg.scid;
	s13 =	simm.s32 $0x2800;
	s14 =	simm.s32 $0x80  }
0x6: {  	s15 =	simm.s32 $0x2880;
	s16 =	simm.s32 $0x100;
	s17 =	simm.s32 $0x0  }
0x7: {  	[smem:$0x7FF] =	sst s3;
	s6 =	smul.u32 $0x280, s1;
	s7 =	sand.u32 $0x1, s4  }
0x8: {  	s9 =	smul.u32 $0x500, s1;
	s4 =	sadd.s32 $0x1400, s5;
	s31 =	sshll.u32 s1, $0x6  }
0x9: {  	_ =	strace $0x80000047;
	s11 =	sshll.u32 s7, $0x7;
	s29 =	sshll.u32 s7, $0x4  }
0xa: {  	s7 =	ssub.s32 $0x2, s7;
	s10 =	sshrl.u32 s6, $0x3;
	s9 =	sor.u32 s11, s9  }
0xb: {  	s11 =	sor.u32 s1, s29;
	s30 =	sshrl.u32 s7, $0x1;
	s10 =	sadd.s32 s10, s5  }
0xc: {  	s9 =	sshrl.u32 s9, $0x3;
	s11 =	smul.u32 $0x500, s11;
	s12 =	ssub.s32 s7, s30  }
0xd: {  	s7 =	sor.u32 $0x1C01, s31;
	s9 =	sadd.s32 s9, s5;
	s5 =	sadd.s32 s6, s2  }
0xe: {  	s6 =	sadd.s32 $0xE00, s10;
	s10 =	smax.u32 s12, $0x1;
	s12 =	simm.s32 $0x1  }
0xf: {  	s8 =	sadd.s32 s8, s11;
	s9 =	sadd.s32 $0x1600, s9;
	s11 =	sshrl.u32 s5, $0x3  }
.LBB2_1:
0x10: {  	[spmem:s11], [sflag:s7] =	dma.local [hbm:s6], $0x50  }
0x11: {  	_ =	swait.ge [sflag:s12], $0x50  }
0x12: {  	[sflag:s12] =	ssyncset.done $0x0  }
0x13: {  	[sflag:s12] =	ssyncadd.s32 $0xFFFFFFB0  }
0x14: {  	[tilespmem:s13], [sflag:$0x1] =	stream.linear.gather [hbm4b:s4+s3], $0x80, $0x38;
	[tilespmem:$0x2D80] =	vst v63  }
0x15: {  	_ =	swait.ge [sflag:s12], $0x80  }
0x16: {  	[sflag:s12] =	ssyncset.done $0x0  }
0x17: {  	[sflag:s12] =	ssyncadd.s32 $0xFFFFFF80  }
0x18: {  	[tilespmem:s3], [sflag:$0x1] =	stream.linear.gather [hbm4b:s8+s3], $0x2780, $0x38;
	[tilespmem:$0x2D80] =	vst v63  }
0x19: {  	_ =	swait.ge [sflag:s12], $0x2780  }
0x1a: {  	[sflag:s12] =	ssyncset.done $0x0  }
0x1b: {  	[sflag:s12] =	ssyncadd.s32 $0xFFFFD880  }
0x1c: {  	s18 =	simm.s32 $0x0;
	[bflag:$0x0] =	sbarrier.arrive $0xFFFF  }
0x1d: {  	[spmem:s2] =	stream.indirect.scatter.add.f32 [tilespmem:s13], [sflag:$0x1], $0x1, s18, s14, $0xb8;
	[tilespmem:$0x2D80] =	vst v63  }
0x1e: {  	_ =	swait.ge [sflag:s12], $0x80  }
0x1f: {  	s18 =	simm.s32 $0x200;
	[sflag:s12] =	ssyncset.done $0x0  }
.LBB2_2:
0x20: {  	s19 =	sshra.s32 s18, $0x2;
	[sflag:s12] =	ssyncadd.s32 $0xFFFFFF80;
	p0 =	sne.s32 s18, $0x9C00  }
0x21: {  	[spmem:s2] =	stream.indirect.scatter.add.f32 [tilespmem:s13], [sflag:$0x1], $0x1, s19, s14, $0xb8;
	[tilespmem:$0x2D80] =	vst v63  }
.Ltmp0:
0x22: {  	_ = 	snop;
	(pc) =	sbr.rel @p0 .LBB2_2-.Ltmp0, $4  }
0x23: {  	_ = 	snop  }
0x24: {  	s18 =	sadd.s32 $0x200, s18  }
0x25: {  	_ =	swait.ge [sflag:s12], $0x80  }
0x26: {  	[sflag:s12] =	ssyncset.done $0x0  }
0x27: {  	[sflag:s12] =	ssyncadd.s32 $0xFFFFFF80  }
0x28: {  	[bflag:$0x0] =	sbarrier.arrive $0xFFFF  }
0x29: {  	[tilespmem:s15], [sflag:$0x1] =	stream.linear.gather [spmem:s5], $0x280, $0x38;
	[tilespmem:$0x2D80] =	vst v63  }
0x2a: {  	s17 =	sadd.s32 $0x1, s17;
	_ =	swait.ge [sflag:s12], $0x280  }
0x2b: {  	p0 =	sne.s32 s17, s10;
	[sflag:s12] =	ssyncset.done $0x0  }
.Ltmp1:
0x2c: {  	[sflag:s12] =	ssyncadd.s32 $0xFFFFFD80;
	(pc) =	sbr.rel @p0 .LBB2_1-.Ltmp1, $4  }
0x2d: {  	[hbm4b:s9+s14] =	stream.strided.scatter [tilespmem:s15], [sflag:$0x1], $0x280, s16, s14, $0x38;
	[tilespmem:$0x2D80] =	vst v63  }
0x2e: {  	_ =	swait.ge [sflag:s12], $0x280  }
0x2f: {  	[sflag:s12] =	ssyncset.done $0x0  }
0x30: {  	[sflag:s12] =	ssyncadd.s32 $0xFFFFFD80  }
0x31: {  	_ =	sfence.sel $0x180000  }
0x32: {  	[bflag:$0x0] =	sbarrier.arrive $0xFFFF  }
0x33: {  	p0 =	sne.s32 s1, $0x0;
	_ =	strace $0x90000047  }
0x34: {  	s0 =	sadd.s32 @!p0 $0x100000, s0;
	[bflag:$0x2] =	sbarrier.arrive $0xFFFF  }
0x35: {  	[sflag:s0] =	ssyncadd.tile.s32 @!p0 $0x1;
	_ =	shalt  }
.Lfunc_end2:
_tile_overlayer_lowered:
.L_overlay_start_2:
0x36: {  	(tag) =	ssettag $0x2  }
0x37: {  	s0 =	rddreg [dreg:$0x0];
	s2 =	stileid.u32  }
0x38: {  	s1 =	rddreg [dreg:$0x1];
	p0 =	sne.s32 s2, $0x0  }
0x39: {  	s3 =	rddreg [dreg:$0x2];
	[bflag:$0x3] =	sbarrier.arrive $0xFFFF;
	s2 =	simm.s32 @!p0 $0x1C01  }
0x3a: {  	[timem:s3], [sflag:s2] =	dma.local @!p0 [hbm:s0], s1  }
0x3b: {  	s0 =	simm.s32 @!p0 $0x1  }
0x3c: {  	_ =	swait.ge @!p0 [sflag:s0], s1  }
0x3d: {  	s1 =	ssub.s32 @!p0 $0x0, s1;
	[sflag:s0] =	ssyncset.done @!p0 $0x0  }
0x3e: {  	[sflag:s0] =	ssyncadd.s32 @!p0 s1  }
0x3f: {  	[bflag:$0x3] =	sbarrier.arrive $0xFFFF  }
0x40: {  	_ =	shalt  }

// kernel: kernel.9.cloned.1.call-start
scs
__scs_entry_jumppad:
0x0: {  	(pc) =	sbr.rel $0x88, $3  }
0x1: {  	(tag) =	ssettag $0x0;
	lr =	simm.s32 $0x1  }
0x2: {  	[smem:$0x3F9D] =	sst lr;
	_ =	strace $0xD0000000  }
0x3: {  	_ = 	snop  }
0x4: {  	_ = 	snop  }
0x5: {  	_ = 	snop  }
0x6: {  	_ = 	snop  }
0x7: {  	_ = 	snop  }
__scs_overlays_trampoline_lowered:
0x8: {  	[smem:$0x3FAC] =	sst s0  }
0x9: {  	[smem:$0x3FAD] =	sst s1  }
0xa: {  	[smem:$0x3FAE] =	sst s2  }
0xb: {  	[smem:$0x3FAF] =	sst s3  }
0xc: {  	[smem:$0x3FB0] =	sst s4  }
0xd: {  	[smem:$0x3FB1] =	sst s5  }
0xe: {  	[smem:$0x3FB2] =	sst s6  }
0xf: {  	[smem:$0x3FB3] =	sst s7  }
0x10: {  	[smem:$0x3FB4] =	sst s8  }
0x11: {  	[smem:$0x3FB5] =	sst s9;
	s0 =	simm.s32 @!p0 $0x0  }
0x12: {  	s1 =	sld [smem:$0x3F9B];
	s0 =	simm.s32 @p0 $0x1  }
0x13: {  	[smem:$0x3FB6] =	sst s0;
	s0 =	simm.s32 @!p1 $0x0  }
0x14: {  	s2 =	sld [smem:$0x3F9A];
	s0 =	simm.s32 @p1 $0x1  }
0x15: {  	[smem:$0x3FB7] =	sst s0;
	s0 =	simm.s32 @!p2 $0x0  }
0x16: {  	s3 =	sld [smem:$0x3FDB];
	s0 =	simm.s32 @p2 $0x1  }
0x17: {  	s4 =	simm.s32 $0x1BF5;
	[smem:$0x3FB9] =	sst s0  }
0x18: {  	s0 =	sld [smem:$0x3F9C];
	_ =	swait.ge [sflag:s4], $0x0  }
0x19: {  	s7 =	sld [smem:$0x3F9D]  }
0x1a: {  	s8 =	sadd.s32 $0xFFFFE003, lr  }
0x1b: {  	s9 =	sadd.s32 $0xFFFFFEF7, lr;
	s5 =	simm.s32 $0xFFFFFFFF;
	p2 =	slt.u32 s8, $0xFFFFF086  }
0x1c: {  	p1 =	slt.u32 s9, $0xF7A;
	s5 =	simm.s32 @!p2 $0x0  }
0x1d: {  	s5 =	simm.s32 @p1 $0x1;
	p0 =	seq.s32 s7, s2  }
0x1e: {  	s7 =	smul.u32 @!p0 $0xF7A, s2;
	p2 =	seq.s32 @!p0 s5, $0x0  }
0x1f: {  	s9 =	smul.u32 $0xF7A, s1;
	s8 =	simm.s32 @!p0 $0x1BF5;
	p2 =	por !p2, p0  }
0x20: {  	[sflag:s8] =	ssyncset.s32 @!p0 $0xFFFFF086;
	s6 =	sadd.s32 @!p0 s3, s7;
	s7 =	simm.s32 @!p0 $0x108  }
0x21: {  	s3 =	sadd.s32 s3, s9;
	s6 =	sadd.s32 @!p0 $0x88, s6;
	s7 =	simm.s32 @p2 $0x1082  }
0x22: {  	[simem:s7], [sflag:s8] =	dma.local @!p0 [hbm:s6], $0xF7A  }
0x23: {  	s9 =	sor.u32 $0xD0000000, s2;
	s6 =	simm.s32 $0x108;
	_ =	swait.ge @!p0 [sflag:s8], $0x0  }
0x24: {  	s3 =	sadd.s32 $0x88, s3;
	s6 =	simm.s32 @!p1 $0x1082;
	[sflag:s4] =	ssyncset.s32 $0xFFFFF086  }
0x25: {  	[simem:s6], [sflag:s4] =	dma.local [hbm:s3], $0xF7A  }
0x26: {  	[smem:$0x3F9D] =	sst s1;
	(tag) =	ssettag s2;
	_ =	strace s9  }
0x27: {  	s1 =	sld [smem:$0x3FAD]  }
0x28: {  	s2 =	sld [smem:$0x3FAE]  }
0x29: {  	s4 =	sld [smem:$0x3FB0]  }
0x2a: {  	p0 =	seq.s32 s5, $0x0;
	s5 =	sld [smem:$0x3FB1]  }
0x2b: {  	s6 =	sld [smem:$0x3FB2]  }
0x2c: {  	s7 =	sld [smem:$0x3FB3]  }
0x2d: {  	s3 =	simm.s32 $0x108;
	s8 =	sld [smem:$0x3FB4]  }
0x2e: {  	s3 =	simm.s32 @!p0 $0x1082;
	s9 =	sld [smem:$0x3FB5]  }
0x2f: {  	lr =	sadd.s32 s0, s3;
	s0 =	sld [smem:$0x3FAC]  }
0x30: {  	s3 =	sld [smem:$0x3FAF]  }
0x31: {  	[smem:$0x3FB8] =	sst s10  }
0x32: {  	s10 =	sld [smem:$0x3FB6];
	_ =	sdelay $0x3  }
0x33: {  	p0 =	seq.s32 s10, $0x1;
	s10 =	sld [smem:$0x3FB8];
	_ =	sdelay $0x3  }
0x34: {  	[smem:$0x3FB8] =	sst s10  }
0x35: {  	s10 =	sld [smem:$0x3FB7];
	_ =	sdelay $0x3  }
0x36: {  	p1 =	seq.s32 s10, $0x1;
	s10 =	sld [smem:$0x3FB8];
	_ =	sdelay $0x3  }
0x37: {  	[smem:$0x3FB8] =	sst s10  }
0x38: {  	s10 =	sld [smem:$0x3FB9]  }
0x39: {  	_ = 	snop;
	(pc) =	sbr.ind lr, $3  }
0x3a: {  	_ = 	snop  }
0x3b: {  	_ = 	snop  }
0x3c: {  	p2 =	seq.s32 s10, $0x1;
	s10 =	sld [smem:$0x3FB8]  }
0x3d: {  	_ =	shalt  }
0x3e: {  	_ =	shalt  }
0x3f: {  	_ =	shalt  }
0x40: {  	_ =	shalt  }
0x41: {  	_ =	shalt  }
0x42: {  	_ =	shalt  }
0x43: {  	_ =	shalt  }
0x44: {  	_ =	shalt  }
0x45: {  	_ =	shalt  }
0x46: {  	_ =	shalt  }
0x47: {  	_ =	shalt  }
0x48: {  	_ =	shalt  }
0x49: {  	_ =	shalt  }
0x4a: {  	_ =	shalt  }
0x4b: {  	_ =	shalt  }
0x4c: {  	_ =	shalt  }
0x4d: {  	_ =	shalt  }
0x4e: {  	_ =	shalt  }
0x4f: {  	_ =	shalt  }
0x50: {  	_ =	shalt  }
0x51: {  	_ =	shalt  }
0x52: {  	_ =	shalt  }
0x53: {  	_ =	shalt  }
0x54: {  	_ =	shalt  }
0x55: {  	_ =	shalt  }
0x56: {  	_ =	shalt  }
0x57: {  	_ =	shalt  }
0x58: {  	_ =	shalt  }
0x59: {  	_ =	shalt  }
0x5a: {  	_ =	shalt  }
0x5b: {  	_ =	shalt  }
0x5c: {  	_ =	shalt  }
0x5d: {  	_ =	shalt  }
0x5e: {  	_ =	shalt  }
0x5f: {  	_ =	shalt  }
0x60: {  	_ =	shalt  }
0x61: {  	_ =	shalt  }
0x62: {  	_ =	shalt  }
0x63: {  	_ =	shalt  }
0x64: {  	_ =	shalt  }
0x65: {  	_ =	shalt  }
0x66: {  	_ =	shalt  }
0x67: {  	_ =	shalt  }
0x68: {  	_ =	shalt  }
0x69: {  	_ =	shalt  }
0x6a: {  	_ =	shalt  }
0x6b: {  	_ =	shalt  }
0x6c: {  	_ =	shalt  }
0x6d: {  	_ =	shalt  }
0x6e: {  	_ =	shalt  }
0x6f: {  	_ =	shalt  }
0x70: {  	_ =	shalt  }
0x71: {  	_ =	shalt  }
0x72: {  	_ =	shalt  }
0x73: {  	_ =	shalt  }
0x74: {  	_ =	shalt  }
0x75: {  	_ =	shalt  }
0x76: {  	_ =	shalt  }
0x77: {  	_ =	shalt  }
0x78: {  	_ =	shalt  }
0x79: {  	_ =	shalt  }
0x7a: {  	_ =	shalt  }
0x7b: {  	_ =	shalt  }
0x7c: {  	_ =	shalt  }
0x7d: {  	_ =	shalt  }
0x7e: {  	_ =	shalt  }
0x7f: {  	_ =	shalt  }
0x80: {  	_ =	shalt  }
0x81: {  	_ =	shalt  }
0x82: {  	_ =	shalt  }
0x83: {  	_ =	shalt  }
0x84: {  	_ =	shalt  }
0x85: {  	_ =	shalt  }
0x86: {  	_ =	shalt  }
0x87: {  	_ =	shalt  }
.Lfunc_end0:
.L_simem_size_0:
called_computation.1_lowered:
.L_overlay_start_0:
0x88: {  	s2 =	sld [smem:$0x3FD9]  }
0x89: {  	s3 =	sld [smem:$0x3FFE];
	_ =	sdelay $0x1  }
0x8a: {  	s1 =	srdreg.scid  }
0x8b: {  	s0 =	sand.u32 $0x1, s1  }
0x8c: {  	s17 =	sshll.u32 s0, $0xA;
	s2 =	sadd.s32 s3, s2  }
0x8d: {  	s2 =	sadd.s32 s2, s17  }
0x8e: {  	[smem:$0x3FC4] =	sst s2  }
0x8f: {  	_ = 	snop  }
0x90: {  	s2 =	sld [smem:$0x3FD0];
	(tm) =	ssettm $0x1  }
0x91: {  	s18 =	sld [smem:$0x3FFB];
	_ =	sdelay $0x3  }
0x92: {  	_ =	strace s18  }
0x93: {  	s3 =	sld [smem:$0x3FFC];
	_ =	sdelay $0x3  }
0x94: {  	_ =	strace s3  }
0x95: {  	s3 =	sld [smem:$0x3FFD];
	_ =	sdelay $0x3  }
0x96: {  	_ =	strace s3  }
0x97: {  	_ =	strace $0x8FFFFFFF  }
0x98: {  	s19 =	sld [smem:$0x3FDB];
	_ =	sdelay $0x1  }
0x99: {  	s4 =	simm.s32 $_scs_section_size  }
0x9a: {  	s5 =	simm.s32 $_size__tile_overlayer_lowered;
	s6 =	simm.s32 $_tile_overlayer_lowered  }
0x9b: {  	s22 =	simm.s32 $0x1BFF;
	s21 =	sshll.u32 s6, $0x1;
	s3 =	sadd.s32 s4, s19  }
0x9c: {  	s7 =	simm.s32 $0x0;
	s20 =	sshll.u32 s5, $0x1;
	s5 =	sadd.s32 s21, s3  }
0x9d: {  	[timem:s7], [sflag:s22] =	dma.local [hbm:s5], s20  }
0x9e: {  	_ =	swait.ge [sflag:s22], s20  }
0x9f: {  	s4 =	ssub.s32 $0x0, s20;
	[sflag:s22] =	ssyncset.done $0x0  }
0xa0: {  	[sflag:s22] =	ssyncadd.s32 s4;
	_ =	sdelay $0x1  }
0xa1: {  	s23 =	simm.s32 $0x1B8B  }
0xa2: {  	_ =	swait.ge [sflag:s23], $0x1  }
0xa3: {  	[sflag:s23] =	ssyncset.done $0x0  }
0xa4: {  	s25 =	simm.s32 $0x1B8E;
	s24 =	sld [smem:$0x3FFE];
	[sflag:s23] =	ssyncadd.s32 $0xFFFFFFFF  }
0xa5: {  	s26 =	simm.s32 $execute0_lowered;
	[smem:$0x3FD2] =	sst s25  }
0xa6: {  	s5 =	sshll.u32 s26, $0x1;
	_ =	strace $0x80000049;
	[dreg:$0x1] =	wrdreg $0xFFFFFFFF  }
0xa7: {  	s28 =	simm.s32 $_size_execute0_lowered;
	s3 =	sadd.s32 s3, s5;
	[dreg:$0x0] =	wrdreg $0x0  }
0xa8: {  	s5 =	sshll.u32 s28, $0x1;
	[dreg:$0x2] =	wrdreg s3  }
0xa9: {  	[dreg:$0x3] =	wrdreg s5  }
0xaa: {  	[dreg:$0x4] =	wrdreg $0xC0  }
0xab: {  	_ =	task [dreg:s7], $0x5FFFF  }
0xac: {  	[dreg:$0x1] =	wrdreg $0xFFFFFFFF  }
0xad: {  	[dreg:$0x0] =	wrdreg $0x60  }
0xae: {  	[dreg:$0x2] =	wrdreg s24  }
0xaf: {  	[dreg:$0x3] =	wrdreg s2  }
0xb0: {  	[dreg:$0x4] =	wrdreg $0x15D000  }
0xb1: {  	[dreg:$0x5] =	wrdreg $0xBD000  }
0xb2: {  	[dreg:$0x6] =	wrdreg $0x9  }
0xb3: {  	_ =	task.clear_ibuf [dreg:s7], $0x7FFFF;
	_ =	strace $0x90000049  }
0xb4: {  	s29 =	simm.s32 $0x9;
	_ =	strace $0x8000004B  }
0xb5: {  	_ =	swait.ge [sflag:s29], $0x1  }
0xb6: {  	[sflag:s29] =	ssyncadd.s32 $0xFFFFFFFF  }
0xb7: {  	_ =	strace $0x9000004B  }
0xb8: {  	_ =	sfence  }
0xb9: {  	s30 =	sld [smem:$0x0];
	_ =	sdelay $0x2  }
0xba: {  	s31 =	sshll.u32 s1, $0xD;
	s1 =	sshrl.u32 s1, $0x2  }
0xbb: {  	s3 =	sand.u32 $0x4000, s31;
	s1 =	sadd.s32 s1, s30  }
0xbc: {  	s0 =	sor.u32 s3, s0;
	s1 =	sshll.u32 s1, $0x11  }
0xbd: {  	s0 =	sor.u32 s1, s0  }
0xbe: {  	s0 =	sadd.s32 $0x8F2B, s0  }
0xbf: {  	[sflag:s0] =	ssyncadd.remote.s32 $0x1  }
0xc0: {  	_ =	sfence.sel $0xFFFF  }
0xc1: {  	[dreg:$0x0] =	wrdreg $0xFFFFFFFF;
	(pc) =	sbr.abs _section_cstart, $3  }
0xc2: {  	[dreg:$0x1] =	wrdreg $0xFFFFFFFF  }
0xc3: {  	_ =	task.clear_ibuf [dreg:s7], $0x2FFFF;
	_ =	strace $0x9FFFFFFF  }
0xc4: {  	(tm) =	ssettm $0x7FFFFFFF  }
0xc5: {  	_ =	shalt  }
tec
execute0_lowered:
.L_overlay_start_1:
0x0: {  	(tag) =	ssettag $0x1  }
0x1: {  	s6 =	rddreg [dreg:$0x0]  }
0x2: {  	s1 =	rddreg [dreg:$0x1]  }
0x3: {  	s3 =	rddreg [dreg:$0x2]  }
0x4: {  	s0 =	srdreg.scid;
	s4 =	rddreg [dreg:$0x3]  }
0x5: {  	s2 =	rddreg [dreg:$0x4];
	s5 =	simm.s32 $0x0;
	s7 =	sand.u32 $0x1, s0  }
0x6: {  	s16 =	simm.s32 $0x80;
	s0 =	stileid.u32;
	s8 =	smul.u32 $0xA0000, s7  }
0x7: {  	s17 =	simm.s32 $0x9D00;
	s18 =	simm.s32 $0x1;
	s9 =	smul.u32 $0xA000, s0  }
0x8: {  	s19 =	simm.s32 $0x0;
	[smem:$0x7FF] =	sst s5;
	s10 =	smul.u32 $0x9D0, s0  }
0x9: {  	_ =	strace $0x8000004A;
	s7 =	ssub.s32 $0x2, s7;
	s13 =	sshll.u32 s0, $0x6  }
0xa: {  	s31 =	sshrl.u32 s7, $0x1;
	s13 =	sor.u32 $0x1C02, s13;
	s8 =	sadd.s32 s9, s8  }
0xb: {  	s10 =	sadd.s32 s10, s6;
	s12 =	ssub.s32 s7, s31;
	s14 =	sadd.s32 s9, s3  }
0xc: {  	s15 =	sadd.s32 s9, s4;
	s8 =	sshrl.u32 s8, $0x3;
	s7 =	sadd.s32 $0x2000, s10  }
0xd: {  	s14 =	sshrl.u32 s14, $0x3;
	s15 =	sshrl.u32 s15, $0x3;
	s11 =	sadd.s32 s8, s6  }
0xe: {  	s6 =	sadd.s32 $0xBE00, s10;
	s10 =	smax.u32 s12, $0x1;
	s12 =	simm.s32 $0x4E80  }
0xf: {  	s8 =	sadd.s32 $0x15C00, s11;
	s9 =	sadd.s32 $0x3DC00, s11;
	s11 =	simm.s32 $0x2  }
.LBB2_1:
0x10: {  	[tilespmem:s5], [sflag:$0x2] =	stream.linear.gather [hbm4b:s6+s5], $0x4E80, $0x38;
	[tilespmem:$0x1FD00] =	vst v63  }
0x11: {  	_ =	swait.ge [sflag:s11], $0x4E80  }
0x12: {  	[sflag:s11] =	ssyncset.done $0x0  }
0x13: {  	[sflag:s11] =	ssyncadd.s32 $0xFFFFB180  }
0x14: {  	[tilespmem:s12], [sflag:$0x2] =	stream.linear.gather [hbm4b:s7+s5], $0x4E80, $0x38;
	[tilespmem:$0x1FD00] =	vst v63  }
0x15: {  	_ =	swait.ge [sflag:s11], $0x4E80  }
0x16: {  	[sflag:s11] =	ssyncset.done $0x0  }
0x17: {  	[sflag:s11] =	ssyncadd.s32 $0xFFFFB180  }
0x18: {  	[spmem:s14], [sflag:s13] =	dma.local [hbm:s8], $0x1400  }
0x19: {  	_ =	swait.ge [sflag:s11], $0x1400  }
0x1a: {  	[sflag:s11] =	ssyncset.done $0x0  }
0x1b: {  	[sflag:s11] =	ssyncadd.s32 $0xFFFFEC00  }
0x1c: {  	[spmem:s15], [sflag:s13] =	dma.local [hbm:s1], $0x1400  }
0x1d: {  	_ =	swait.ge [sflag:s11], $0x1400  }
0x1e: {  	[sflag:s11] =	ssyncset.done $0x0  }
0x1f: {  	[sflag:s11] =	ssyncadd.s32 $0xFFFFEC00  }
0x20: {  	s20 =	simm.s32 $0x0;
	[bflag:$0x0] =	sbarrier.arrive $0xFFFF  }
0x21: {  	[tilespmem:s17], [sflag:$0x1] =	stream.indirect.gather [spmem:s3], $0x40, s20, s16, $0xb8;
	[tilespmem:$0x1FD00] =	vst v63  }
0x22: {  	_ =	swait.ge [sflag:s18], $0x2000  }
0x23: {  	[sflag:s18] =	ssyncset.done $0x0  }
0x24: {  	s31 =	simm.s32 $0x4E80;
	[sflag:s18] =	ssyncadd.s32 $0xFFFFE000  }
0x25: {  	[spmem:s4] =	stream.indirect.scatter.add.f32 [tilespmem:s17], [sflag:$0x2], $0x40, s31, s16, $0xb8;
	[tilespmem:$0x1FD00] =	vst v63  }
0x26: {  	_ =	swait.ge [sflag:s11], $0x2000  }
0x27: {  	s21 =	simm.s32 $0x400;
	s20 =	simm.s32 $0x200;
	[sflag:s11] =	ssyncset.done $0x0  }
.LBB2_2:
0x28: {  	s22 =	sshra.s32 s20, $0x2  }
0x29: {  	[sflag:s11] =	ssyncadd.s32 $0xFFFFE000;
	s20 =	smov.u32 s21;
	s23 =	sadd.s32 $0x200, s21  }
0x2a: {  	[tilespmem:s17], [sflag:$0x1] =	stream.indirect.gather [spmem:s3], $0x40, s22, s16, $0xb8;
	[tilespmem:$0x1FD00] =	vst v63  }
0x2b: {  	p0 =	sne.s32 s21, $0x13800;
	_ =	swait.ge [sflag:s18], $0x2000  }
.Ltmp0:
0x2c: {  	[sflag:s18] =	ssyncset.done $0x0;
	(pc) =	sbr.rel @p0 .LBB2_2-.Ltmp0, $4  }
0x2d: {  	s21 =	sadd.s32 $0x4E80, s22;
	[sflag:s18] =	ssyncadd.s32 $0xFFFFE000  }
0x2e: {  	[spmem:s4] =	stream.indirect.scatter.add.f32 [tilespmem:s17], [sflag:$0x2], $0x40, s21, s16, $0xb8;
	[tilespmem:$0x1FD00] =	vst v63  }
0x2f: {  	_ =	swait.ge [sflag:s11], $0x2000  }
0x30: {  	s21 =	smov.u32 s23;
	[sflag:s11] =	ssyncset.done $0x0  }
0x31: {  	s20 =	sshra.s32 s20, $0x2;
	[sflag:s11] =	ssyncadd.s32 $0xFFFFE000  }
0x32: {  	[tilespmem:s17], [sflag:$0x1] =	stream.indirect.gather [spmem:s3], $0x40, s20, s16, $0xb8;
	[tilespmem:$0x1FD00] =	vst v63  }
0x33: {  	_ =	swait.ge [sflag:s18], $0x2000  }
0x34: {  	[sflag:s18] =	ssyncset.done $0x0  }
0x35: {  	s20 =	sadd.s32 $0x4E80, s20;
	[sflag:s18] =	ssyncadd.s32 $0xFFFFE000  }
0x36: {  	[spmem:s4] =	stream.indirect.scatter.add.f32 [tilespmem:s17], [sflag:$0x2], $0x40, s20, s16, $0xb8;
	[tilespmem:$0x1FD00] =	vst v63  }
0x37: {  	_ =	swait.ge [sflag:s11], $0x2000  }
0x38: {  	s19 =	sadd.s32 $0x1, s19;
	[sflag:s11] =	ssyncset.done $0x0  }
0x39: {  	p0 =	sne.s32 s19, s10;
	[sflag:s11] =	ssyncadd.s32 $0xFFFFE000  }
.Ltmp1:
0x3a: {  	[bflag:$0x0] =	sbarrier.arrive $0xFFFF;
	(pc) =	sbr.rel @p0 .LBB2_1-.Ltmp1, $4  }
0x3b: {  	[hbm:s9], [sflag:s13] =	dma.local [spmem:s15], $0x1400  }
0x3c: {  	_ =	swait.ge [sflag:s11], $0x1400  }
0x3d: {  	[sflag:s11] =	ssyncset.done $0x0  }
0x3e: {  	[sflag:s11] =	ssyncadd.s32 $0xFFFFEC00  }
0x3f: {  	_ =	sfence.sel $0x180000  }
0x40: {  	[bflag:$0x0] =	sbarrier.arrive $0xFFFF  }
0x41: {  	p0 =	sne.s32 s0, $0x0;
	_ =	strace $0x9000004A  }
0x42: {  	s0 =	sadd.s32 @!p0 $0x100000, s2;
	[bflag:$0x2] =	sbarrier.arrive $0xFFFF  }
0x43: {  	[sflag:s0] =	ssyncadd.tile.s32 @!p0 $0x1;
	_ =	shalt  }
.Lfunc_end2:
_tile_overlayer_lowered:
.L_overlay_start_2:
0x44: {  	(tag) =	ssettag $0x2  }
0x45: {  	s0 =	rddreg [dreg:$0x0];
	s2 =	stileid.u32  }
0x46: {  	s1 =	rddreg [dreg:$0x1];
	p0 =	sne.s32 s2, $0x0  }
0x47: {  	s3 =	rddreg [dreg:$0x2];
	[bflag:$0x3] =	sbarrier.arrive $0xFFFF;
	s2 =	simm.s32 @!p0 $0x1C02  }
0x48: {  	[timem:s3], [sflag:s2] =	dma.local @!p0 [hbm:s0], s1  }
0x49: {  	s0 =	simm.s32 @!p0 $0x2  }
0x4a: {  	_ =	swait.ge @!p0 [sflag:s0], s1  }
0x4b: {  	s1 =	ssub.s32 @!p0 $0x0, s1;
	[sflag:s0] =	ssyncset.done @!p0 $0x0  }
0x4c: {  	[sflag:s0] =	ssyncadd.s32 @!p0 s1  }
0x4d: {  	[bflag:$0x3] =	sbarrier.arrive $0xFFFF  }
0x4e: {  	_ =	shalt  }

</sc_bundles>
